<compile_context>
chip_gen: v7x
topology: tpu7x:2x2x1
jax: 0.10.2.dev20260603
libtpu: 0.0.44.dev20260713+nightly
codegen_flags: <defaults>
</compile_context>

<pallas_src>
import functools
import math

import jax
import jax.numpy as jnp
from jax import lax
from jax.experimental import pallas as pl
from jax.experimental.pallas import tpu as pltpu
from jax.experimental.pallas import tpu_sc as plsc

BLK = 128
NC = 2
NS = 16
NW = NC * NS

NEG = -3.4e38


def _gelu(y):
    return 0.5 * y * (1.0 + lax.erf(y * (1.0 / math.sqrt(2.0))))


def _route_meta_body(x_ref, miuT_ref, dest_ref, counts_ref, *, padt, chunk):
    p = pl.program_id(0)
    x = x_ref[0]
    t, _ = x.shape
    m_n = miuT_ref.shape[1]
    s = jnp.dot(x, miuT_ref[...], preferred_element_type=jnp.float32)
    mx = jnp.max(s, axis=1, keepdims=True)
    lane = lax.broadcasted_iota(jnp.int32, s.shape, 1)
    a = jnp.min(jnp.where(s >= mx, lane, m_n), axis=1, keepdims=True)
    oh = (lane == a).astype(jnp.float32)

    counts = jnp.sum(oh, axis=0, keepdims=True)
    countc = jnp.floor((counts + (BLK - 1)) * (1.0 / BLK))
    r8 = lax.broadcasted_iota(jnp.int32, (m_n, m_n), 0)
    c8 = lax.broadcasted_iota(jnp.int32, (m_n, m_n), 1)
    triu_strict = (r8 < c8).astype(jnp.float32)
    starts = jnp.dot(countc, triu_strict, preferred_element_type=jnp.float32) * BLK

    rc = lax.broadcasted_iota(jnp.int32, (chunk, chunk), 0)
    cc = lax.broadcasted_iota(jnp.int32, (chunk, chunk), 1)
    tri = (rc >= cc).astype(jnp.float32)
    base = jnp.zeros((1, m_n), jnp.float32)
    for c in range(t // chunk):
        ohc = oh[c * chunk:(c + 1) * chunk, :]
        ccum = jnp.dot(tri, ohc, preferred_element_type=jnp.float32) + base
        base = base + jnp.sum(ohc, axis=0, keepdims=True)
        dst = (jnp.sum(ohc * starts, axis=1, keepdims=True)
               + jnp.sum(ohc * ccum, axis=1, keepdims=True) - 1.0)
        dest_ref[0, c * chunk:(c + 1) * chunk] = dst.astype(jnp.int32) + p * padt

    counts_ref[0] = counts.astype(jnp.int32)


def _expert_body(widx_ref, vcnt_ref, x_ref, w_ref, b_ref, out_ref):
    g = pl.program_id(0)
    y = jnp.dot(x_ref[...], w_ref[0], preferred_element_type=jnp.float32) + b_ref[0]
    y = _gelu(y)
    valid = lax.broadcasted_iota(jnp.int32, (y.shape[0], 1), 0) < vcnt_ref[g]
    out_ref[...] = jnp.where(valid, y, 0.0)


def _attn_body(bexp_ref, kstart_ref, knum_ref, kcount_ref, vcntq_ref,
               q_ref, ks_ref, out_ref, *, scale, nb, m_n, d):
    b = pl.program_id(0)
    j = pl.program_id(1)
    e = bexp_ref[b * nb + j]
    ks = kstart_ref[b * m_n + e]
    kn = knum_ref[b * m_n + e]
    cnt = kcount_ref[b * m_n + e]
    kn = jnp.where(vcntq_ref[b * nb + j] > 0, kn, 0)
    q = q_ref[...]

    def step(i, carry):
        m, l, acc = carry
        kb = ks_ref[pl.ds((ks + i) * BLK, BLK), :]
        logits = lax.dot_general(
            q, kb, (((1,), (1,)), ((), ())), preferred_element_type=jnp.float32
        ) * scale
        vc = cnt - i * BLK
        mask = lax.broadcasted_iota(jnp.int32, logits.shape, 1) < vc
        att = jnp.where(mask, logits, NEG)
        mnew = jnp.maximum(m, jnp.max(att, axis=1, keepdims=True))
        pexp = jnp.where(mask, jnp.exp(att - mnew), 0.0)
        alpha = jnp.exp(m - mnew)
        lnew = l * alpha + jnp.sum(pexp, axis=1, keepdims=True)
        accnew = acc * alpha + jnp.dot(pexp, kb, preferred_element_type=jnp.float32)
        return (mnew, lnew, accnew)

    m0 = jnp.full((q.shape[0], 1), NEG, jnp.float32)
    l0 = jnp.zeros((q.shape[0], 1), jnp.float32)
    a0 = jnp.zeros((q.shape[0], d), jnp.float32)
    m, l, acc = lax.fori_loop(0, kn, step, (m0, l0, a0))
    out_ref[...] = jnp.where(l > 0, acc / l, 0.0)


def kernel(Q, K, V, miu, W_Q, b_Q, W_K, b_K):
    B, SQ, D = Q.shape
    SK = K.shape[1]
    M = miu.shape[0]
    del V

    PADT = SK + M * BLK
    NB = PADT // BLK
    P = 2 * B

    X4 = jnp.concatenate([Q, K], axis=0)

    dest, counts = pl.pallas_call(
        functools.partial(_route_meta_body, padt=PADT, chunk=512),
        grid=(P,),
        in_specs=[
            pl.BlockSpec((1, SQ, D), lambda p: (p, 0, 0)),
            pl.BlockSpec((D, M), lambda p: (0, 0)),
        ],
        out_specs=[
            pl.BlockSpec((1, SQ, 1), lambda p: (p, 0, 0)),
            pl.BlockSpec((1, 1, M), lambda p: (p, 0, 0)),
        ],
        out_shape=[
            jax.ShapeDtypeStruct((P, SQ, 1), jnp.int32),
            jax.ShapeDtypeStruct((P, 1, M), jnp.int32),
        ],
    )(X4, miu.T)

    dest_flat = dest.reshape(P * SQ)
    counts_i = counts.reshape(P, M)

    countc = (counts_i + BLK - 1) // BLK
    ends = jnp.cumsum(countc, axis=1)
    starts = ends - countc
    jj = jnp.arange(NB, dtype=jnp.int32)[None, None, :]
    inblk = (jj >= starts[:, :, None]) & (jj < ends[:, :, None])
    bexp = jnp.sum(
        inblk * jnp.arange(M, dtype=jnp.int32)[None, :, None], axis=1
    )
    used = jnp.any(inblk, axis=1)
    vcnt = jnp.sum(
        inblk * jnp.clip(
            counts_i[:, :, None] - (jj - starts[:, :, None]) * BLK, 0, BLK),
        axis=1,
    )
    side = (jnp.arange(P, dtype=jnp.int32) >= B).astype(jnp.int32)[:, None]
    w_idx = jnp.where(used, bexp + M * side, 0).astype(jnp.int32).reshape(-1)
    vcnt = jnp.where(used, vcnt, 0).astype(jnp.int32).reshape(-1)
    bexp_q = bexp[:B].astype(jnp.int32).reshape(-1)
    vcnt_q = vcnt[:B * NB]
    kstart = starts[B:].astype(jnp.int32).reshape(-1)
    knum = countc[B:].astype(jnp.int32).reshape(-1)
    kcount = counts_i[B:].astype(jnp.int32).reshape(-1)

    xs = _sc_scatter_rows(X4.reshape(P * SQ, D), dest_flat, P * PADT)

    Ws = jnp.concatenate([W_Q, W_K], axis=0)
    bs = jnp.concatenate([b_Q, b_K], axis=0).reshape(2 * M, 1, D)

    xt = pl.pallas_call(
        _expert_body,
        grid_spec=pltpu.PrefetchScalarGridSpec(
            num_scalar_prefetch=2,
            grid=(P * NB,),
            in_specs=[
                pl.BlockSpec((BLK, D), lambda g, widx, vc: (g, 0)),
                pl.BlockSpec((1, D, D), lambda g, widx, vc: (widx[g], 0, 0)),
                pl.BlockSpec((1, 1, D), lambda g, widx, vc: (widx[g], 0, 0)),
            ],
            out_specs=pl.BlockSpec((BLK, D), lambda g, widx, vc: (g, 0)),
        ),
        out_shape=jax.ShapeDtypeStruct((P * PADT, D), jnp.float32),
    )(w_idx, vcnt, xs, Ws, bs)

    att = pl.pallas_call(
        functools.partial(
            _attn_body, scale=1.0 / math.sqrt(D), nb=NB, m_n=M, d=D),
        grid_spec=pltpu.PrefetchScalarGridSpec(
            num_scalar_prefetch=5,
            grid=(B, NB),
            in_specs=[
                pl.BlockSpec((BLK, D), lambda b, j, *s: (b * NB + j, 0)),
                pl.BlockSpec((PADT, D), lambda b, j, *s: (B + b, 0)),
            ],
            out_specs=pl.BlockSpec((BLK, D), lambda b, j, *s: (b * NB + j, 0)),
        ),
        out_shape=jax.ShapeDtypeStruct((B * PADT, D), jnp.float32),
    )(bexp_q, kstart, knum, kcount, vcnt_q, xt, xt)

    O = _sc_gather_rows(att, dest_flat[:B * SQ])
    return O.reshape(B, SQ, D)


def _sc_mesh():
    return plsc.VectorSubcoreMesh(
        core_axis_name="c", subcore_axis_name="s", num_cores=NC, num_subcores=NS)


def _sc_scatter_rows(x, dest, n_out):
    n, d = x.shape
    rows_per_w = n // NW
    c_sz = min(128, rows_per_w)
    nch = rows_per_w // c_sz

    @functools.partial(
        pl.kernel,
        out_type=jax.ShapeDtypeStruct((n_out, d), jnp.float32),
        mesh=_sc_mesh(),
        scratch_types=[
            pltpu.VMEM((c_sz,), jnp.int32),
            pltpu.VMEM((c_sz, d), jnp.float32),
            pltpu.SemaphoreType.DMA,
        ],
    )
    def _scatter(x_hbm, dest_hbm, out_hbm, idx_v, rows_v, sem):
        wid = lax.axis_index("s") * NC + lax.axis_index("c")
        for c in range(nch):
            base = wid * rows_per_w + c * c_sz
            pltpu.sync_copy(x_hbm.at[pl.ds(base, c_sz)], rows_v)
            pltpu.sync_copy(dest_hbm.at[pl.ds(base, c_sz)], idx_v)
            pltpu.async_copy(rows_v, out_hbm.at[idx_v], sem).wait()

    return _scatter(x, dest)


def _sc_gather_rows(src, idx):
    _, d = src.shape
    n = idx.shape[0]
    rows_per_w = n // NW
    c_sz = min(128, rows_per_w)
    nch = rows_per_w // c_sz

    @functools.partial(
        pl.kernel,
        out_type=jax.ShapeDtypeStruct((n, d), jnp.float32),
        mesh=_sc_mesh(),
        scratch_types=[
            pltpu.VMEM((c_sz,), jnp.int32),
            pltpu.VMEM((c_sz, d), jnp.float32),
            pltpu.SemaphoreType.DMA,
        ],
    )
    def _gather(src_hbm, idx_hbm, out_hbm, idx_v, rows_v, sem):
        wid = lax.axis_index("s") * NC + lax.axis_index("c")
        for c in range(nch):
            base = wid * rows_per_w + c * c_sz
            pltpu.sync_copy(idx_hbm.at[pl.ds(base, c_sz)], idx_v)
            pltpu.async_copy(src_hbm.at[idx_v], rows_v, sem).wait()
            pltpu.sync_copy(rows_v, out_hbm.at[pl.ds(base, c_sz)])

    return _gather(src, idx)

# --- scband reference (transcript-rebuilt; emitter-appended) ---
"""Pipeline reference for scband-mo-eclustered-attention-43035572305977 (READ-ONLY COPY).

The authoritative reference and input builder live on the scoring server;
editing this copy changes nothing except your own understanding.
"""

import jax, jax.numpy as jnp
import numpy as np

M = 8
D = 768
B = 2
SQ = 2048
SK = 2048

def setup_inputs(seed: int = 0) -> dict:
    key = jax.random.key(seed)
    ks = jax.random.split(key, 8)
    Q = jax.random.normal(ks[0], (B, SQ, D), dtype=jnp.float32)
    K = jax.random.normal(ks[1], (B, SK, D), dtype=jnp.float32)
    V = jax.random.normal(ks[2], (B, SK, D), dtype=jnp.float32)
    miu = jax.random.normal(ks[3], (M, D), dtype=jnp.float32) * 0.02
    W_Q = jax.random.normal(ks[4], (M, D, D), dtype=jnp.float32) * (1.0 / np.sqrt(D))
    b_Q = jnp.zeros((M, D), dtype=jnp.float32)
    W_K = jax.random.normal(ks[5], (M, D, D), dtype=jnp.float32) * (1.0 / np.sqrt(D))
    b_K = jnp.zeros((M, D), dtype=jnp.float32)
    return {"Q": Q, "K": K, "V": V, "miu": miu, "W_Q": W_Q, "b_Q": b_Q, "W_K": W_K, "b_K": b_K}

def reference(Q, K, V, miu, W_Q, b_Q, W_K, b_K):
    B_, Sq, d = Q.shape
    Sk = K.shape[1]
    Mn = miu.shape[0]
    # routing: concat Q and K tokens, score against cluster centers, hard argmax assignment
    x = jnp.concatenate([Q, K], axis=1)  # [B, Sq+Sk, d]
    scores = jnp.einsum('btd,md->btm', x, miu) / (d ** 0.5)
    assignments = jnp.argmax(scores, axis=-1)  # [B, Sq+Sk]
    T = Sq + Sk
    pos = jnp.arange(T)
    is_q = pos < Sq
    is_k = pos >= Sk
    # expert transforms: per-cluster Linear(d,d) + GELU (dropout inactive at eval)
    x_t = jnp.zeros_like(x)
    for m in range(Mn):
        yq = jax.nn.gelu(x @ W_Q[m] + b_Q[m], approximate=False)
        mq = ((assignments == m) & is_q[None, :])[:, :, None]
        x_t = jnp.where(mq, yq, x_t)
    for m in range(Mn):
        yk = jax.nn.gelu(x @ W_K[m] + b_K[m], approximate=False)
        mk = ((assignments == m) & is_k[None, :])[:, :, None]
        x_t = jnp.where(mk, yk, x_t)
    Q_p = x_t[:, :Sq]
    K_p = x_t[:, Sk:]
    V_p = K_p  # torch code overwrites V with K_prime
    aq = assignments[:, :Sq]
    ak = assignments[:, Sk:]
    # clustered attention: query attends only to keys in the same cluster
    att = jnp.einsum('bqd,bkd->bqk', Q_p, K_p) / (d ** 0.5)
    same = aq[:, :, None] == ak[:, None, :]
    att = jnp.where(same, att, -1e9)
    w = jax.nn.softmax(att, axis=-1)
    has_key = same.any(axis=-1)
    w = jnp.where(has_key[:, :, None], w, 0.0)
    O = jnp.einsum('bqk,bkd->bqd', w, V_p)
    return O

if __name__ == "__main__":
    import jax
    _d = setup_inputs()
    print(jax.jit(kernel)(*tuple(_d.values())))

</pallas_src>

<mosaic_0001>
#map = affine_map<(d0, d1) -> (0, 0)>
#map1 = affine_map<(d0, d1) -> (0)>
module attributes {stable_mosaic.version = 14 : i64} {
  func.func @_scatter(%arg0: i32, %arg1: i32, %arg2: memref<8192x768xf32, #tpu.memory_space<hbm>>, %arg3: memref<8192xi32, #tpu.memory_space<hbm>>, %arg4: memref<12288x768xf32, #tpu.memory_space<hbm>>, %arg5: memref<128xi32, #tpu.memory_space<vmem>>, %arg6: memref<128x768xf32, #tpu.memory_space<vmem>>, %arg7: memref<!tpu.dma_semaphore, #tpu.memory_space<semaphore_mem>>) attributes {dimension_semantics = [#tpu.dimension_semantics<core_parallel>, #tpu.dimension_semantics<subcore_parallel>], iteration_bounds = array<i64: 2, 16>, scalar_prefetch = 0 : i64, scratch_operands = 3 : i64, tpu.core_type = #tpu.core_type<sc_vector_subcore>, window_params = [{transform_indices = #map}, {transform_indices = #map1}, {transform_indices = #map}]} {
    %mul3A = arith.constant 2 : i32
    %mul3A_0 = arith.muli %arg1, %mul3A : i32
    %add3A = arith.addi %mul3A_0, %arg0 : i32
    %mul3A_1 = arith.constant 256 : i32
    %mul3A_2 = arith.muli %add3A, %mul3A_1 : i32
    %add3A_3 = arith.constant 0 : i32
    %add3A_4 = arith.addi %mul3A_2, %add3A_3 : i32
    "tpu.region"() ({
      %run_scoped3A = tpu.sem_alloc : memref<!tpu.dma_semaphore, #tpu.memory_space<semaphore_mem>>
      %dma_start3A_19 = arith.constant 0 : i32
      %dma_start3A_20 = tpu.memref_slice %arg2[%add3A_4, %dma_start3A_19] : memref<8192x768xf32, #tpu.memory_space<hbm>> -> memref<128x768xf32, #tpu.memory_space<hbm>>
      %dma_start3A_21 = arith.constant 0 : i32
      %dma_start3A_22 = tpu.memref_slice %arg2[%add3A_4, %dma_start3A_21] : memref<8192x768xf32, #tpu.memory_space<hbm>> -> memref<128x768xf32, #tpu.memory_space<hbm>>
      tpu.enqueue_dma source(%dma_start3A_22 : memref<128x768xf32, #tpu.memory_space<hbm>>) target(%arg6 : memref<128x768xf32, #tpu.memory_space<vmem>>) target_semaphore(%run_scoped3A : memref<!tpu.dma_semaphore, #tpu.memory_space<semaphore_mem>>)
      %dma_wait3A_23 = arith.constant 0 : i32
      %dma_wait3A_24 = tpu.memref_slice %arg2[%add3A_4, %dma_wait3A_23] : memref<8192x768xf32, #tpu.memory_space<hbm>> -> memref<128x768xf32, #tpu.memory_space<hbm>>
      %dma_wait3A_25 = arith.constant 0 : i32
      %dma_wait3A_26 = tpu.memref_slice %arg2[%add3A_4, %dma_wait3A_25] : memref<8192x768xf32, #tpu.memory_space<hbm>> -> memref<128x768xf32, #tpu.memory_space<hbm>>
      tpu.wait_dma2 semaphore(%run_scoped3A : memref<!tpu.dma_semaphore, #tpu.memory_space<semaphore_mem>>) src(%dma_wait3A_26 : memref<128x768xf32, #tpu.memory_space<hbm>>) dst(%arg6 : memref<128x768xf32, #tpu.memory_space<vmem>>)
      tpu.yield
    }) : () -> ()
    "tpu.region"() ({
      %run_scoped3A = tpu.sem_alloc : memref<!tpu.dma_semaphore, #tpu.memory_space<semaphore_mem>>
      %dma_start3A_19 = tpu.memref_slice %arg3[%add3A_4] : memref<8192xi32, #tpu.memory_space<hbm>> -> memref<128xi32, #tpu.memory_space<hbm>>
      %dma_start3A_20 = tpu.memref_slice %arg3[%add3A_4] : memref<8192xi32, #tpu.memory_space<hbm>> -> memref<128xi32, #tpu.memory_space<hbm>>
      tpu.enqueue_dma source(%dma_start3A_20 : memref<128xi32, #tpu.memory_space<hbm>>) target(%arg5 : memref<128xi32, #tpu.memory_space<vmem>>) target_semaphore(%run_scoped3A : memref<!tpu.dma_semaphore, #tpu.memory_space<semaphore_mem>>)
      %dma_wait3A_21 = tpu.memref_slice %arg3[%add3A_4] : memref<8192xi32, #tpu.memory_space<hbm>> -> memref<128xi32, #tpu.memory_space<hbm>>
      %dma_wait3A_22 = tpu.memref_slice %arg3[%add3A_4] : memref<8192xi32, #tpu.memory_space<hbm>> -> memref<128xi32, #tpu.memory_space<hbm>>
      tpu.wait_dma2 semaphore(%run_scoped3A : memref<!tpu.dma_semaphore, #tpu.memory_space<semaphore_mem>>) src(%dma_wait3A_22 : memref<128xi32, #tpu.memory_space<hbm>>) dst(%arg5 : memref<128xi32, #tpu.memory_space<vmem>>)
      tpu.yield
    }) : () -> ()
    %dma_start3A = arith.constant 0 : i32
    %dma_start3A_5 = arith.constant 0 : i32
    %dma_start3A_6 = tpu.memref_slice %arg4[%dma_start3A, %dma_start3A_5] : memref<12288x768xf32, #tpu.memory_space<hbm>> -> memref<12288x768xf32, #tpu.memory_space<hbm>>
    tpu.enqueue_indirect_dma source(%arg6 : memref<128x768xf32, #tpu.memory_space<vmem>>) target(%dma_start3A_6 : memref<12288x768xf32, #tpu.memory_space<hbm>>) offsets(%arg5 : memref<128xi32, #tpu.memory_space<vmem>>) semaphore(%arg7 : memref<!tpu.dma_semaphore, #tpu.memory_space<semaphore_mem>>)
    %dma_wait3A = arith.constant 0 : i32
    %dma_wait3A_7 = arith.constant 0 : i32
    %dma_wait3A_8 = tpu.memref_slice %arg4[%dma_wait3A, %dma_wait3A_7] : memref<12288x768xf32, #tpu.memory_space<hbm>> -> memref<12288x768xf32, #tpu.memory_space<hbm>>
    tpu.wait_indirect_dma semaphore(%arg7 : memref<!tpu.dma_semaphore, #tpu.memory_space<semaphore_mem>>) src(%arg6 : memref<128x768xf32, #tpu.memory_space<vmem>>) dst(%dma_wait3A_8 : memref<12288x768xf32, #tpu.memory_space<hbm>>)
    %mul3A_9 = arith.constant 256 : i32
    %mul3A_10 = arith.muli %add3A, %mul3A_9 : i32
    %add3A_11 = arith.constant 128 : i32
    %add3A_12 = arith.addi %mul3A_10, %add3A_11 : i32
    "tpu.region"() ({
      %run_scoped3A = tpu.sem_alloc : memref<!tpu.dma_semaphore, #tpu.memory_space<semaphore_mem>>
      %dma_start3A_19 = arith.constant 0 : i32
      %dma_start3A_20 = tpu.memref_slice %arg2[%add3A_12, %dma_start3A_19] : memref<8192x768xf32, #tpu.memory_space<hbm>> -> memref<128x768xf32, #tpu.memory_space<hbm>>
      %dma_start3A_21 = arith.constant 0 : i32
      %dma_start3A_22 = tpu.memref_slice %arg2[%add3A_12, %dma_start3A_21] : memref<8192x768xf32, #tpu.memory_space<hbm>> -> memref<128x768xf32, #tpu.memory_space<hbm>>
      tpu.enqueue_dma source(%dma_start3A_22 : memref<128x768xf32, #tpu.memory_space<hbm>>) target(%arg6 : memref<128x768xf32, #tpu.memory_space<vmem>>) target_semaphore(%run_scoped3A : memref<!tpu.dma_semaphore, #tpu.memory_space<semaphore_mem>>)
      %dma_wait3A_23 = arith.constant 0 : i32
      %dma_wait3A_24 = tpu.memref_slice %arg2[%add3A_12, %dma_wait3A_23] : memref<8192x768xf32, #tpu.memory_space<hbm>> -> memref<128x768xf32, #tpu.memory_space<hbm>>
      %dma_wait3A_25 = arith.constant 0 : i32
      %dma_wait3A_26 = tpu.memref_slice %arg2[%add3A_12, %dma_wait3A_25] : memref<8192x768xf32, #tpu.memory_space<hbm>> -> memref<128x768xf32, #tpu.memory_space<hbm>>
      tpu.wait_dma2 semaphore(%run_scoped3A : memref<!tpu.dma_semaphore, #tpu.memory_space<semaphore_mem>>) src(%dma_wait3A_26 : memref<128x768xf32, #tpu.memory_space<hbm>>) dst(%arg6 : memref<128x768xf32, #tpu.memory_space<vmem>>)
      tpu.yield
    }) : () -> ()
    "tpu.region"() ({
      %run_scoped3A = tpu.sem_alloc : memref<!tpu.dma_semaphore, #tpu.memory_space<semaphore_mem>>
      %dma_start3A_19 = tpu.memref_slice %arg3[%add3A_12] : memref<8192xi32, #tpu.memory_space<hbm>> -> memref<128xi32, #tpu.memory_space<hbm>>
      %dma_start3A_20 = tpu.memref_slice %arg3[%add3A_12] : memref<8192xi32, #tpu.memory_space<hbm>> -> memref<128xi32, #tpu.memory_space<hbm>>
      tpu.enqueue_dma source(%dma_start3A_20 : memref<128xi32, #tpu.memory_space<hbm>>) target(%arg5 : memref<128xi32, #tpu.memory_space<vmem>>) target_semaphore(%run_scoped3A : memref<!tpu.dma_semaphore, #tpu.memory_space<semaphore_mem>>)
      %dma_wait3A_21 = tpu.memref_slice %arg3[%add3A_12] : memref<8192xi32, #tpu.memory_space<hbm>> -> memref<128xi32, #tpu.memory_space<hbm>>
      %dma_wait3A_22 = tpu.memref_slice %arg3[%add3A_12] : memref<8192xi32, #tpu.memory_space<hbm>> -> memref<128xi32, #tpu.memory_space<hbm>>
      tpu.wait_dma2 semaphore(%run_scoped3A : memref<!tpu.dma_semaphore, #tpu.memory_space<semaphore_mem>>) src(%dma_wait3A_22 : memref<128xi32, #tpu.memory_space<hbm>>) dst(%arg5 : memref<128xi32, #tpu.memory_space<vmem>>)
      tpu.yield
    }) : () -> ()
    %dma_start3A_13 = arith.constant 0 : i32
    %dma_start3A_14 = arith.constant 0 : i32
    %dma_start3A_15 = tpu.memref_slice %arg4[%dma_start3A_13, %dma_start3A_14] : memref<12288x768xf32, #tpu.memory_space<hbm>> -> memref<12288x768xf32, #tpu.memory_space<hbm>>
    tpu.enqueue_indirect_dma source(%arg6 : memref<128x768xf32, #tpu.memory_space<vmem>>) target(%dma_start3A_15 : memref<12288x768xf32, #tpu.memory_space<hbm>>) offsets(%arg5 : memref<128xi32, #tpu.memory_space<vmem>>) semaphore(%arg7 : memref<!tpu.dma_semaphore, #tpu.memory_space<semaphore_mem>>)
    %dma_wait3A_16 = arith.constant 0 : i32
    %dma_wait3A_17 = arith.constant 0 : i32
    %dma_wait3A_18 = tpu.memref_slice %arg4[%dma_wait3A_16, %dma_wait3A_17] : memref<12288x768xf32, #tpu.memory_space<hbm>> -> memref<12288x768xf32, #tpu.memory_space<hbm>>
    tpu.wait_indirect_dma semaphore(%arg7 : memref<!tpu.dma_semaphore, #tpu.memory_space<semaphore_mem>>) src(%arg6 : memref<128x768xf32, #tpu.memory_space<vmem>>) dst(%dma_wait3A_18 : memref<12288x768xf32, #tpu.memory_space<hbm>>)
    return
  }
}

#map = affine_map<(d0, d1) -> (0, 0)>
#map1 = affine_map<(d0, d1) -> (0)>
module attributes {stable_mosaic.version = 14 : i64} {
  func.func @_gather(%arg0: i32, %arg1: i32, %arg2: memref<6144x768xf32, #tpu.memory_space<hbm>>, %arg3: memref<4096xi32, #tpu.memory_space<hbm>>, %arg4: memref<4096x768xf32, #tpu.memory_space<hbm>>, %arg5: memref<128xi32, #tpu.memory_space<vmem>>, %arg6: memref<128x768xf32, #tpu.memory_space<vmem>>, %arg7: memref<!tpu.dma_semaphore, #tpu.memory_space<semaphore_mem>>) attributes {dimension_semantics = [#tpu.dimension_semantics<core_parallel>, #tpu.dimension_semantics<subcore_parallel>], iteration_bounds = array<i64: 2, 16>, scalar_prefetch = 0 : i64, scratch_operands = 3 : i64, tpu.core_type = #tpu.core_type<sc_vector_subcore>, window_params = [{transform_indices = #map}, {transform_indices = #map1}, {transform_indices = #map}]} {
    %mul3A = arith.constant 2 : i32
    %mul3A_0 = arith.muli %arg1, %mul3A : i32
    %add3A = arith.addi %mul3A_0, %arg0 : i32
    %mul3A_1 = arith.constant 128 : i32
    %mul3A_2 = arith.muli %add3A, %mul3A_1 : i32
    %add3A_3 = arith.constant 0 : i32
    %add3A_4 = arith.addi %mul3A_2, %add3A_3 : i32
    "tpu.region"() ({
      %run_scoped3A = tpu.sem_alloc : memref<!tpu.dma_semaphore, #tpu.memory_space<semaphore_mem>>
      %dma_start3A_9 = tpu.memref_slice %arg3[%add3A_4] : memref<4096xi32, #tpu.memory_space<hbm>> -> memref<128xi32, #tpu.memory_space<hbm>>
      %dma_start3A_10 = tpu.memref_slice %arg3[%add3A_4] : memref<4096xi32, #tpu.memory_space<hbm>> -> memref<128xi32, #tpu.memory_space<hbm>>
      tpu.enqueue_dma source(%dma_start3A_10 : memref<128xi32, #tpu.memory_space<hbm>>) target(%arg5 : memref<128xi32, #tpu.memory_space<vmem>>) target_semaphore(%run_scoped3A : memref<!tpu.dma_semaphore, #tpu.memory_space<semaphore_mem>>)
      %dma_wait3A_11 = tpu.memref_slice %arg3[%add3A_4] : memref<4096xi32, #tpu.memory_space<hbm>> -> memref<128xi32, #tpu.memory_space<hbm>>
      %dma_wait3A_12 = tpu.memref_slice %arg3[%add3A_4] : memref<4096xi32, #tpu.memory_space<hbm>> -> memref<128xi32, #tpu.memory_space<hbm>>
      tpu.wait_dma2 semaphore(%run_scoped3A : memref<!tpu.dma_semaphore, #tpu.memory_space<semaphore_mem>>) src(%dma_wait3A_12 : memref<128xi32, #tpu.memory_space<hbm>>) dst(%arg5 : memref<128xi32, #tpu.memory_space<vmem>>)
      tpu.yield
    }) : () -> ()
    %dma_start3A = arith.constant 0 : i32
    %dma_start3A_5 = arith.constant 0 : i32
    %dma_start3A_6 = tpu.memref_slice %arg2[%dma_start3A, %dma_start3A_5] : memref<6144x768xf32, #tpu.memory_space<hbm>> -> memref<6144x768xf32, #tpu.memory_space<hbm>>
    tpu.enqueue_indirect_dma source(%dma_start3A_6 : memref<6144x768xf32, #tpu.memory_space<hbm>>) target(%arg6 : memref<128x768xf32, #tpu.memory_space<vmem>>) offsets(%arg5 : memref<128xi32, #tpu.memory_space<vmem>>) semaphore(%arg7 : memref<!tpu.dma_semaphore, #tpu.memory_space<semaphore_mem>>)
    %dma_wait3A = arith.constant 0 : i32
    %dma_wait3A_7 = arith.constant 0 : i32
    %dma_wait3A_8 = tpu.memref_slice %arg2[%dma_wait3A, %dma_wait3A_7] : memref<6144x768xf32, #tpu.memory_space<hbm>> -> memref<6144x768xf32, #tpu.memory_space<hbm>>
    tpu.wait_indirect_dma semaphore(%arg7 : memref<!tpu.dma_semaphore, #tpu.memory_space<semaphore_mem>>) src(%dma_wait3A_8 : memref<6144x768xf32, #tpu.memory_space<hbm>>) dst(%arg6 : memref<128x768xf32, #tpu.memory_space<vmem>>)
    "tpu.region"() ({
      %run_scoped3A = tpu.sem_alloc : memref<!tpu.dma_semaphore, #tpu.memory_space<semaphore_mem>>
      %dma_start3A_9 = arith.constant 0 : i32
      %dma_start3A_10 = tpu.memref_slice %arg4[%add3A_4, %dma_start3A_9] : memref<4096x768xf32, #tpu.memory_space<hbm>> -> memref<128x768xf32, #tpu.memory_space<hbm>>
      %dma_start3A_11 = arith.constant 0 : i32
      %dma_start3A_12 = tpu.memref_slice %arg4[%add3A_4, %dma_start3A_11] : memref<4096x768xf32, #tpu.memory_space<hbm>> -> memref<128x768xf32, #tpu.memory_space<hbm>>
      tpu.enqueue_dma source(%arg6 : memref<128x768xf32, #tpu.memory_space<vmem>>) target(%dma_start3A_12 : memref<128x768xf32, #tpu.memory_space<hbm>>) target_semaphore(%run_scoped3A : memref<!tpu.dma_semaphore, #tpu.memory_space<semaphore_mem>>)
      %dma_wait3A_13 = arith.constant 0 : i32
      %dma_wait3A_14 = tpu.memref_slice %arg4[%add3A_4, %dma_wait3A_13] : memref<4096x768xf32, #tpu.memory_space<hbm>> -> memref<128x768xf32, #tpu.memory_space<hbm>>
      %dma_wait3A_15 = arith.constant 0 : i32
      %dma_wait3A_16 = tpu.memref_slice %arg4[%add3A_4, %dma_wait3A_15] : memref<4096x768xf32, #tpu.memory_space<hbm>> -> memref<128x768xf32, #tpu.memory_space<hbm>>
      tpu.wait_dma2 semaphore(%run_scoped3A : memref<!tpu.dma_semaphore, #tpu.memory_space<semaphore_mem>>) src(%arg6 : memref<128x768xf32, #tpu.memory_space<vmem>>) dst(%dma_wait3A_16 : memref<128x768xf32, #tpu.memory_space<hbm>>)
      tpu.yield
    }) : () -> ()
    return
  }
}

module attributes {stable_mosaic.version = 14 : i64} {
  func.func @_route_meta_body(%arg0: i32, %arg1: memref<1x2048x768xf32, #tpu.memory_space<vmem>>, %arg2: memref<768x8xf32, #tpu.memory_space<vmem>>, %arg3: memref<1x2048x1xi32, #tpu.memory_space<vmem>>, %arg4: memref<1x1x8xi32, #tpu.memory_space<vmem>>) attributes {dimension_semantics = [#tpu.dimension_semantics<arbitrary>], iteration_bounds = array<i64: 4>, scalar_prefetch = 0 : i64, scratch_operands = 0 : i64, tpu.core_type = #tpu.core_type<tc>, window_params = [{transform_indices = @transform_0, window_bounds = array<i64: 1, 2048, 768>}, {pipeline_mode = #tpu.pipeline_mode<synchronous>, transform_indices = @transform_1, window_bounds = array<i64: 768, 8>}, {transform_indices = @transform_2, window_bounds = array<i64: 1, 2048, 1>}, {transform_indices = @transform_3, window_bounds = array<i64: 1, 1, 8>}]} {
    %get3A = arith.constant 0 : index
    %get3A_0 = arith.constant 0 : index
    %get3A_1 = arith.constant 0 : index
    %get3A_2 = vector.load %arg1[%get3A, %get3A_0, %get3A_1] : memref<1x2048x768xf32, #tpu.memory_space<vmem>>, vector<1x2048x768xf32>
    %get3A_3 = vector.shape_cast %get3A_2 : vector<1x2048x768xf32> to vector<2048x768xf32>
    %get3A_4 = arith.constant 0 : index
    %get3A_5 = arith.constant 0 : index
    %get3A_6 = vector.load %arg2[%get3A_4, %get3A_5] : memref<768x8xf32, #tpu.memory_space<vmem>>, vector<768x8xf32>
    %dot_general3A = arith.constant dense<0.000000e+00> : vector<2048x8xf32>
    %dot_general3A_7 = tpu.matmul %get3A_3, %get3A_6, %dot_general3A {dimension_numbers = #tpu.dot_dimension_numbers<[1], [0], [0], [1], [0, 0, 1, 1], [], []>, transpose_lhs_hint = false} : vector<2048x768xf32>, vector<768x8xf32>, vector<2048x8xf32> -> vector<2048x8xf32>
    %reduce_max3A = arith.constant dense<0xFF800000> : vector<2048xf32>
    %reduce_max3A_8 = vector.multi_reduction <maximumf>, %dot_general3A_7, %reduce_max3A [1] : vector<2048x8xf32> to vector<2048xf32>
    %broadcast_in_dim3A = vector.shape_cast %reduce_max3A_8 : vector<2048xf32> to vector<2048x1xf32>
    %iota3A = tpu.iota {dimensions = array<i32: 1>} : vector<2048x8xi32>
    %ge3A = vector.broadcast %broadcast_in_dim3A : vector<2048x1xf32> to vector<2048x8xf32>
    %ge3A_9 = arith.cmpf oge, %dot_general3A_7, %ge3A : vector<2048x8xf32>
    %jit3A = arith.constant 8 : i32
    %broadcast_in_dim3A_10 = vector.broadcast %jit3A : i32 to vector<2048x8xi32>
    %select_n3A = arith.select %ge3A_9, %iota3A, %broadcast_in_dim3A_10 : vector<2048x8xi1>, vector<2048x8xi32>
    %reduce_min3A = arith.constant dense<2147483647> : vector<2048xi32>
    %reduce_min3A_11 = vector.multi_reduction <minsi>, %select_n3A, %reduce_min3A [1] : vector<2048x8xi32> to vector<2048xi32>
    %broadcast_in_dim3A_12 = vector.shape_cast %reduce_min3A_11 : vector<2048xi32> to vector<2048x1xi32>
    %eq3A = vector.broadcast %broadcast_in_dim3A_12 : vector<2048x1xi32> to vector<2048x8xi32>
    %eq3A_13 = arith.cmpi eq, %iota3A, %eq3A : vector<2048x8xi32>
    %convert_element_type3A = arith.extui %eq3A_13 : vector<2048x8xi1> to vector<2048x8xi32>
    %convert_element_type3A_14 = arith.sitofp %convert_element_type3A : vector<2048x8xi32> to vector<2048x8xf32>
    %reduce_sum3A = arith.constant dense<0.000000e+00> : vector<8xf32>
    %reduce_sum3A_15 = vector.multi_reduction <add>, %convert_element_type3A_14, %reduce_sum3A [0] : vector<2048x8xf32> to vector<8xf32>
    %broadcast_in_dim3A_16 = vector.shape_cast %reduce_sum3A_15 : vector<8xf32> to vector<1x8xf32>
    %add3A = arith.constant 1.270000e+02 : f32
    %add3A_17 = vector.broadcast %add3A : f32 to vector<1x8xf32>
    %add3A_18 = arith.addf %broadcast_in_dim3A_16, %add3A_17 : vector<1x8xf32>
    %mul3A = arith.constant 7.812500e-03 : f32
    %mul3A_19 = vector.broadcast %mul3A : f32 to vector<1x8xf32>
    %mul3A_20 = arith.mulf %add3A_18, %mul3A_19 : vector<1x8xf32>
    %floor3A = math.floor %mul3A_20 : vector<1x8xf32>
    %iota3A_21 = tpu.iota {dimensions = array<i32: 0>} : vector<8x8xi32>
    %iota3A_22 = tpu.iota {dimensions = array<i32: 1>} : vector<8x8xi32>
    %lt3A = arith.cmpi slt, %iota3A_21, %iota3A_22 : vector<8x8xi32>
    %convert_element_type3A_23 = arith.extui %lt3A : vector<8x8xi1> to vector<8x8xi32>
    %convert_element_type3A_24 = arith.sitofp %convert_element_type3A_23 : vector<8x8xi32> to vector<8x8xf32>
    %dot_general3A_25 = arith.constant dense<0.000000e+00> : vector<1x8xf32>
    %dot_general3A_26 = tpu.matmul %floor3A, %convert_element_type3A_24, %dot_general3A_25 {dimension_numbers = #tpu.dot_dimension_numbers<[1], [0], [0], [1], [0, 0, 1, 1], [], []>, transpose_lhs_hint = false} : vector<1x8xf32>, vector<8x8xf32>, vector<1x8xf32> -> vector<1x8xf32>
    %mul3A_27 = arith.constant 1.280000e+02 : f32
    %mul3A_28 = vector.broadcast %mul3A_27 : f32 to vector<1x8xf32>
    %mul3A_29 = arith.mulf %dot_general3A_26, %mul3A_28 : vector<1x8xf32>
    %iota3A_30 = tpu.iota {dimensions = array<i32: 0>} : vector<512x512xi32>
    %iota3A_31 = tpu.iota {dimensions = array<i32: 1>} : vector<512x512xi32>
    %ge3A_32 = arith.cmpi sge, %iota3A_30, %iota3A_31 : vector<512x512xi32>
    %convert_element_type3A_33 = arith.extui %ge3A_32 : vector<512x512xi1> to vector<512x512xi32>
    %convert_element_type3A_34 = arith.sitofp %convert_element_type3A_33 : vector<512x512xi32> to vector<512x512xf32>
    %broadcast_in_dim3A_35 = arith.constant 0.000000e+00 : f32
    %broadcast_in_dim3A_36 = vector.broadcast %broadcast_in_dim3A_35 : f32 to vector<1x8xf32>
    %slice3A = vector.extract_strided_slice %convert_element_type3A_14 {offsets = [0, 0], sizes = [512, 8], strides = [1, 1]} : vector<2048x8xf32> to vector<512x8xf32>
    %dot_general3A_37 = arith.constant dense<0.000000e+00> : vector<512x8xf32>
    %dot_general3A_38 = tpu.matmul %convert_element_type3A_34, %slice3A, %dot_general3A_37 {dimension_numbers = #tpu.dot_dimension_numbers<[1], [0], [0], [1], [0, 0, 1, 1], [], []>, transpose_lhs_hint = false} : vector<512x512xf32>, vector<512x8xf32>, vector<512x8xf32> -> vector<512x8xf32>
    %add3A_39 = vector.broadcast %broadcast_in_dim3A_36 : vector<1x8xf32> to vector<512x8xf32>
    %add3A_40 = arith.addf %dot_general3A_38, %add3A_39 : vector<512x8xf32>
    %reduce_sum3A_41 = arith.constant dense<0.000000e+00> : vector<8xf32>
    %reduce_sum3A_42 = vector.multi_reduction <add>, %slice3A, %reduce_sum3A_41 [0] : vector<512x8xf32> to vector<8xf32>
    %broadcast_in_dim3A_43 = vector.shape_cast %reduce_sum3A_42 : vector<8xf32> to vector<1x8xf32>
    %add3A_44 = arith.addf %broadcast_in_dim3A_36, %broadcast_in_dim3A_43 : vector<1x8xf32>
    %mul3A_45 = vector.broadcast %mul3A_29 : vector<1x8xf32> to vector<512x8xf32>
    %mul3A_46 = arith.mulf %slice3A, %mul3A_45 : vector<512x8xf32>
    %reduce_sum3A_47 = arith.constant dense<0.000000e+00> : vector<512xf32>
    %reduce_sum3A_48 = vector.multi_reduction <add>, %mul3A_46, %reduce_sum3A_47 [1] : vector<512x8xf32> to vector<512xf32>
    %broadcast_in_dim3A_49 = vector.shape_cast %reduce_sum3A_48 : vector<512xf32> to vector<512x1xf32>
    %mul3A_50 = arith.mulf %slice3A, %add3A_40 : vector<512x8xf32>
    %reduce_sum3A_51 = arith.constant dense<0.000000e+00> : vector<512xf32>
    %reduce_sum3A_52 = vector.multi_reduction <add>, %mul3A_50, %reduce_sum3A_51 [1] : vector<512x8xf32> to vector<512xf32>
    %broadcast_in_dim3A_53 = vector.shape_cast %reduce_sum3A_52 : vector<512xf32> to vector<512x1xf32>
    %add3A_54 = arith.addf %broadcast_in_dim3A_49, %broadcast_in_dim3A_53 : vector<512x1xf32>
    %sub3A = arith.constant 1.000000e+00 : f32
    %sub3A_55 = vector.broadcast %sub3A : f32 to vector<512x1xf32>
    %sub3A_56 = arith.subf %add3A_54, %sub3A_55 : vector<512x1xf32>
    %convert_element_type3A_57 = arith.fptosi %sub3A_56 : vector<512x1xf32> to vector<512x1xi32>
    %mul3A_58 = arith.constant 3072 : i32
    %mul3A_59 = arith.muli %arg0, %mul3A_58 : i32
    %add3A_60 = vector.broadcast %mul3A_59 : i32 to vector<512x1xi32>
    %add3A_61 = arith.addi %convert_element_type3A_57, %add3A_60 : vector<512x1xi32>
    %swap3A = arith.constant 0 : index
    %swap3A_62 = arith.constant 0 : index
    %swap3A_63 = arith.constant 0 : index
    %swap3A_64 = vector.load %arg3[%swap3A, %swap3A_62, %swap3A_63] : memref<1x2048x1xi32, #tpu.memory_space<vmem>>, vector<1x512x1xi32>
    %swap3A_65 = vector.shape_cast %swap3A_64 : vector<1x512x1xi32> to vector<512x1xi32>
    %swap3A_66 = vector.shape_cast %add3A_61 : vector<512x1xi32> to vector<1x512x1xi32>
    tpu.vector_store %arg3[%swap3A, %swap3A_62, %swap3A_63], %swap3A_66 {strides = array<i32>} : memref<1x2048x1xi32, #tpu.memory_space<vmem>>, vector<1x512x1xi32>,
    %slice3A_67 = vector.extract_strided_slice %convert_element_type3A_14 {offsets = [512, 0], sizes = [512, 8], strides = [1, 1]} : vector<2048x8xf32> to vector<512x8xf32>
    %dot_general3A_68 = arith.constant dense<0.000000e+00> : vector<512x8xf32>
    %dot_general3A_69 = tpu.matmul %convert_element_type3A_34, %slice3A_67, %dot_general3A_68 {dimension_numbers = #tpu.dot_dimension_numbers<[1], [0], [0], [1], [0, 0, 1, 1], [], []>, transpose_lhs_hint = false} : vector<512x512xf32>, vector<512x8xf32>, vector<512x8xf32> -> vector<512x8xf32>
    %add3A_70 = vector.broadcast %add3A_44 : vector<1x8xf32> to vector<512x8xf32>
    %add3A_71 = arith.addf %dot_general3A_69, %add3A_70 : vector<512x8xf32>
    %reduce_sum3A_72 = arith.constant dense<0.000000e+00> : vector<8xf32>
    %reduce_sum3A_73 = vector.multi_reduction <add>, %slice3A_67, %reduce_sum3A_72 [0] : vector<512x8xf32> to vector<8xf32>
    %broadcast_in_dim3A_74 = vector.shape_cast %reduce_sum3A_73 : vector<8xf32> to vector<1x8xf32>
    %add3A_75 = arith.addf %add3A_44, %broadcast_in_dim3A_74 : vector<1x8xf32>
    %mul3A_76 = vector.broadcast %mul3A_29 : vector<1x8xf32> to vector<512x8xf32>
    %mul3A_77 = arith.mulf %slice3A_67, %mul3A_76 : vector<512x8xf32>
    %reduce_sum3A_78 = arith.constant dense<0.000000e+00> : vector<512xf32>
    %reduce_sum3A_79 = vector.multi_reduction <add>, %mul3A_77, %reduce_sum3A_78 [1] : vector<512x8xf32> to vector<512xf32>
    %broadcast_in_dim3A_80 = vector.shape_cast %reduce_sum3A_79 : vector<512xf32> to vector<512x1xf32>
    %mul3A_81 = arith.mulf %slice3A_67, %add3A_71 : vector<512x8xf32>
    %reduce_sum3A_82 = arith.constant dense<0.000000e+00> : vector<512xf32>
    %reduce_sum3A_83 = vector.multi_reduction <add>, %mul3A_81, %reduce_sum3A_82 [1] : vector<512x8xf32> to vector<512xf32>
    %broadcast_in_dim3A_84 = vector.shape_cast %reduce_sum3A_83 : vector<512xf32> to vector<512x1xf32>
    %add3A_85 = arith.addf %broadcast_in_dim3A_80, %broadcast_in_dim3A_84 : vector<512x1xf32>
    %sub3A_86 = arith.constant 1.000000e+00 : f32
    %sub3A_87 = vector.broadcast %sub3A_86 : f32 to vector<512x1xf32>
    %sub3A_88 = arith.subf %add3A_85, %sub3A_87 : vector<512x1xf32>
    %convert_element_type3A_89 = arith.fptosi %sub3A_88 : vector<512x1xf32> to vector<512x1xi32>
    %mul3A_90 = arith.constant 3072 : i32
    %mul3A_91 = arith.muli %arg0, %mul3A_90 : i32
    %add3A_92 = vector.broadcast %mul3A_91 : i32 to vector<512x1xi32>
    %add3A_93 = arith.addi %convert_element_type3A_89, %add3A_92 : vector<512x1xi32>
    %swap3A_94 = arith.constant 0 : index
    %swap3A_95 = arith.constant 512 : index
    %swap3A_96 = arith.constant 0 : index
    %swap3A_97 = vector.load %arg3[%swap3A_94, %swap3A_95, %swap3A_96] : memref<1x2048x1xi32, #tpu.memory_space<vmem>>, vector<1x512x1xi32>
    %swap3A_98 = vector.shape_cast %swap3A_97 : vector<1x512x1xi32> to vector<512x1xi32>
    %swap3A_99 = vector.shape_cast %add3A_93 : vector<512x1xi32> to vector<1x512x1xi32>
    tpu.vector_store %arg3[%swap3A_94, %swap3A_95, %swap3A_96], %swap3A_99 {strides = array<i32>} : memref<1x2048x1xi32, #tpu.memory_space<vmem>>, vector<1x512x1xi32>,
    %slice3A_100 = vector.extract_strided_slice %convert_element_type3A_14 {offsets = [1024, 0], sizes = [512, 8], strides = [1, 1]} : vector<2048x8xf32> to vector<512x8xf32>
    %dot_general3A_101 = arith.constant dense<0.000000e+00> : vector<512x8xf32>
    %dot_general3A_102 = tpu.matmul %convert_element_type3A_34, %slice3A_100, %dot_general3A_101 {dimension_numbers = #tpu.dot_dimension_numbers<[1], [0], [0], [1], [0, 0, 1, 1], [], []>, transpose_lhs_hint = false} : vector<512x512xf32>, vector<512x8xf32>, vector<512x8xf32> -> vector<512x8xf32>
    %add3A_103 = vector.broadcast %add3A_75 : vector<1x8xf32> to vector<512x8xf32>
    %add3A_104 = arith.addf %dot_general3A_102, %add3A_103 : vector<512x8xf32>
    %reduce_sum3A_105 = arith.constant dense<0.000000e+00> : vector<8xf32>
    %reduce_sum3A_106 = vector.multi_reduction <add>, %slice3A_100, %reduce_sum3A_105 [0] : vector<512x8xf32> to vector<8xf32>
    %broadcast_in_dim3A_107 = vector.shape_cast %reduce_sum3A_106 : vector<8xf32> to vector<1x8xf32>
    %add3A_108 = arith.addf %add3A_75, %broadcast_in_dim3A_107 : vector<1x8xf32>
    %mul3A_109 = vector.broadcast %mul3A_29 : vector<1x8xf32> to vector<512x8xf32>
    %mul3A_110 = arith.mulf %slice3A_100, %mul3A_109 : vector<512x8xf32>
    %reduce_sum3A_111 = arith.constant dense<0.000000e+00> : vector<512xf32>
    %reduce_sum3A_112 = vector.multi_reduction <add>, %mul3A_110, %reduce_sum3A_111 [1] : vector<512x8xf32> to vector<512xf32>
    %broadcast_in_dim3A_113 = vector.shape_cast %reduce_sum3A_112 : vector<512xf32> to vector<512x1xf32>
    %mul3A_114 = arith.mulf %slice3A_100, %add3A_104 : vector<512x8xf32>
    %reduce_sum3A_115 = arith.constant dense<0.000000e+00> : vector<512xf32>
    %reduce_sum3A_116 = vector.multi_reduction <add>, %mul3A_114, %reduce_sum3A_115 [1] : vector<512x8xf32> to vector<512xf32>
    %broadcast_in_dim3A_117 = vector.shape_cast %reduce_sum3A_116 : vector<512xf32> to vector<512x1xf32>
    %add3A_118 = arith.addf %broadcast_in_dim3A_113, %broadcast_in_dim3A_117 : vector<512x1xf32>
    %sub3A_119 = arith.constant 1.000000e+00 : f32
    %sub3A_120 = vector.broadcast %sub3A_119 : f32 to vector<512x1xf32>
    %sub3A_121 = arith.subf %add3A_118, %sub3A_120 : vector<512x1xf32>
    %convert_element_type3A_122 = arith.fptosi %sub3A_121 : vector<512x1xf32> to vector<512x1xi32>
    %mul3A_123 = arith.constant 3072 : i32
    %mul3A_124 = arith.muli %arg0, %mul3A_123 : i32
    %add3A_125 = vector.broadcast %mul3A_124 : i32 to vector<512x1xi32>
    %add3A_126 = arith.addi %convert_element_type3A_122, %add3A_125 : vector<512x1xi32>
    %swap3A_127 = arith.constant 0 : index
    %swap3A_128 = arith.constant 1024 : index
    %swap3A_129 = arith.constant 0 : index
    %swap3A_130 = vector.load %arg3[%swap3A_127, %swap3A_128, %swap3A_129] : memref<1x2048x1xi32, #tpu.memory_space<vmem>>, vector<1x512x1xi32>
    %swap3A_131 = vector.shape_cast %swap3A_130 : vector<1x512x1xi32> to vector<512x1xi32>
    %swap3A_132 = vector.shape_cast %add3A_126 : vector<512x1xi32> to vector<1x512x1xi32>
    tpu.vector_store %arg3[%swap3A_127, %swap3A_128, %swap3A_129], %swap3A_132 {strides = array<i32>} : memref<1x2048x1xi32, #tpu.memory_space<vmem>>, vector<1x512x1xi32>,
    %slice3A_133 = vector.extract_strided_slice %convert_element_type3A_14 {offsets = [1536, 0], sizes = [512, 8], strides = [1, 1]} : vector<2048x8xf32> to vector<512x8xf32>
    %dot_general3A_134 = arith.constant dense<0.000000e+00> : vector<512x8xf32>
    %dot_general3A_135 = tpu.matmul %convert_element_type3A_34, %slice3A_133, %dot_general3A_134 {dimension_numbers = #tpu.dot_dimension_numbers<[1], [0], [0], [1], [0, 0, 1, 1], [], []>, transpose_lhs_hint = false} : vector<512x512xf32>, vector<512x8xf32>, vector<512x8xf32> -> vector<512x8xf32>
    %add3A_136 = vector.broadcast %add3A_108 : vector<1x8xf32> to vector<512x8xf32>
    %add3A_137 = arith.addf %dot_general3A_135, %add3A_136 : vector<512x8xf32>
    %mul3A_138 = vector.broadcast %mul3A_29 : vector<1x8xf32> to vector<512x8xf32>
    %mul3A_139 = arith.mulf %slice3A_133, %mul3A_138 : vector<512x8xf32>
    %reduce_sum3A_140 = arith.constant dense<0.000000e+00> : vector<512xf32>
    %reduce_sum3A_141 = vector.multi_reduction <add>, %mul3A_139, %reduce_sum3A_140 [1] : vector<512x8xf32> to vector<512xf32>
    %broadcast_in_dim3A_142 = vector.shape_cast %reduce_sum3A_141 : vector<512xf32> to vector<512x1xf32>
    %mul3A_143 = arith.mulf %slice3A_133, %add3A_137 : vector<512x8xf32>
    %reduce_sum3A_144 = arith.constant dense<0.000000e+00> : vector<512xf32>
    %reduce_sum3A_145 = vector.multi_reduction <add>, %mul3A_143, %reduce_sum3A_144 [1] : vector<512x8xf32> to vector<512xf32>
    %broadcast_in_dim3A_146 = vector.shape_cast %reduce_sum3A_145 : vector<512xf32> to vector<512x1xf32>
    %add3A_147 = arith.addf %broadcast_in_dim3A_142, %broadcast_in_dim3A_146 : vector<512x1xf32>
    %sub3A_148 = arith.constant 1.000000e+00 : f32
    %sub3A_149 = vector.broadcast %sub3A_148 : f32 to vector<512x1xf32>
    %sub3A_150 = arith.subf %add3A_147, %sub3A_149 : vector<512x1xf32>
    %convert_element_type3A_151 = arith.fptosi %sub3A_150 : vector<512x1xf32> to vector<512x1xi32>
    %mul3A_152 = arith.constant 3072 : i32
    %mul3A_153 = arith.muli %arg0, %mul3A_152 : i32
    %add3A_154 = vector.broadcast %mul3A_153 : i32 to vector<512x1xi32>
    %add3A_155 = arith.addi %convert_element_type3A_151, %add3A_154 : vector<512x1xi32>
    %swap3A_156 = arith.constant 0 : index
    %swap3A_157 = arith.constant 1536 : index
    %swap3A_158 = arith.constant 0 : index
    %swap3A_159 = vector.load %arg3[%swap3A_156, %swap3A_157, %swap3A_158] : memref<1x2048x1xi32, #tpu.memory_space<vmem>>, vector<1x512x1xi32>
    %swap3A_160 = vector.shape_cast %swap3A_159 : vector<1x512x1xi32> to vector<512x1xi32>
    %swap3A_161 = vector.shape_cast %add3A_155 : vector<512x1xi32> to vector<1x512x1xi32>
    tpu.vector_store %arg3[%swap3A_156, %swap3A_157, %swap3A_158], %swap3A_161 {strides = array<i32>} : memref<1x2048x1xi32, #tpu.memory_space<vmem>>, vector<1x512x1xi32>,
    %convert_element_type3A_162 = arith.fptosi %broadcast_in_dim3A_16 : vector<1x8xf32> to vector<1x8xi32>
    %swap3A_163 = arith.constant 0 : index
    %swap3A_164 = arith.constant 0 : index
    %swap3A_165 = arith.constant 0 : index
    %swap3A_166 = vector.load %arg4[%swap3A_163, %swap3A_164, %swap3A_165] : memref<1x1x8xi32, #tpu.memory_space<vmem>>, vector<1x1x8xi32>
    %swap3A_167 = vector.shape_cast %swap3A_166 : vector<1x1x8xi32> to vector<1x8xi32>
    %swap3A_168 = vector.shape_cast %convert_element_type3A_162 : vector<1x8xi32> to vector<1x1x8xi32>
    tpu.vector_store %arg4[%swap3A_163, %swap3A_164, %swap3A_165], %swap3A_168 {strides = array<i32>} : memref<1x1x8xi32, #tpu.memory_space<vmem>>, vector<1x1x8xi32>,
    return
  }
  func.func @transform_0(%arg0: i32) -> (i32, i32, i32) {
    %c0_i32 = arith.constant 0 : i32
    %c0_i32_0 = arith.constant 0 : i32
    %c0_i32_1 = arith.constant 0 : i32
    return %arg0, %c0_i32, %c0_i32_0 : i32, i32, i32
  }
  func.func @transform_1(%arg0: i32) -> (i32, i32) {
    %c0_i32 = arith.constant 0 : i32
    %c0_i32_0 = arith.constant 0 : i32
    %c0_i32_1 = arith.constant 0 : i32
    return %c0_i32, %c0_i32_0 : i32, i32
  }
  func.func @transform_2(%arg0: i32) -> (i32, i32, i32) {
    %c0_i32 = arith.constant 0 : i32
    %c0_i32_0 = arith.constant 0 : i32
    %c0_i32_1 = arith.constant 0 : i32
    return %arg0, %c0_i32, %c0_i32_0 : i32, i32, i32
  }
  func.func @transform_3(%arg0: i32) -> (i32, i32, i32) {
    %c0_i32 = arith.constant 0 : i32
    %c0_i32_0 = arith.constant 0 : i32
    %c0_i32_1 = arith.constant 0 : i32
    return %arg0, %c0_i32, %c0_i32_0 : i32, i32, i32
  }
}

module attributes {stable_mosaic.version = 14 : i64} {
  func.func @_expert_body(%arg0: i32, %arg1: memref<96xi32, #tpu.memory_space<smem>>, %arg2: memref<96xi32, #tpu.memory_space<smem>>, %arg3: memref<128x768xf32, #tpu.memory_space<vmem>>, %arg4: memref<1x768x768xf32, #tpu.memory_space<vmem>>, %arg5: memref<1x1x768xf32, #tpu.memory_space<vmem>>, %arg6: memref<128x768xf32, #tpu.memory_space<vmem>>) attributes {dimension_semantics = [#tpu.dimension_semantics<arbitrary>], iteration_bounds = array<i64: 96>, scalar_prefetch = 2 : i64, scratch_operands = 0 : i64, tpu.core_type = #tpu.core_type<tc>, window_params = [{transform_indices = @transform_0, window_bounds = array<i64: 128, 768>}, {transform_indices = @transform_1, window_bounds = array<i64: 1, 768, 768>}, {transform_indices = @transform_2, window_bounds = array<i64: 1, 1, 768>}, {transform_indices = @transform_3, window_bounds = array<i64: 128, 768>}]} {
    %get3A = arith.constant 0 : index
    %get3A_0 = arith.constant 0 : index
    %get3A_1 = vector.load %arg3[%get3A, %get3A_0] : memref<128x768xf32, #tpu.memory_space<vmem>>, vector<128x768xf32>
    %get3A_2 = arith.constant 0 : index
    %get3A_3 = arith.constant 0 : index
    %get3A_4 = arith.constant 0 : index
    %get3A_5 = vector.load %arg4[%get3A_2, %get3A_3, %get3A_4] : memref<1x768x768xf32, #tpu.memory_space<vmem>>, vector<1x768x768xf32>
    %get3A_6 = vector.shape_cast %get3A_5 : vector<1x768x768xf32> to vector<768x768xf32>
    %dot_general3A = arith.constant dense<0.000000e+00> : vector<128x768xf32>
    %dot_general3A_7 = tpu.matmul %get3A_1, %get3A_6, %dot_general3A {dimension_numbers = #tpu.dot_dimension_numbers<[1], [0], [0], [1], [0, 0, 1, 1], [], []>, transpose_lhs_hint = false} : vector<128x768xf32>, vector<768x768xf32>, vector<128x768xf32> -> vector<128x768xf32>
    %get3A_8 = arith.constant 0 : index
    %get3A_9 = arith.constant 0 : index
    %get3A_10 = arith.constant 0 : index
    %get3A_11 = vector.load %arg5[%get3A_8, %get3A_9, %get3A_10] : memref<1x1x768xf32, #tpu.memory_space<vmem>>, vector<1x1x768xf32>
    %get3A_12 = vector.shape_cast %get3A_11 : vector<1x1x768xf32> to vector<1x768xf32>
    %add3A = vector.broadcast %get3A_12 : vector<1x768xf32> to vector<128x768xf32>
    %add3A_13 = arith.addf %dot_general3A_7, %add3A : vector<128x768xf32>
    %mul3A = arith.constant 5.000000e-01 : f32
    %mul3A_14 = vector.broadcast %mul3A : f32 to vector<128x768xf32>
    %mul3A_15 = arith.mulf %mul3A_14, %add3A_13 : vector<128x768xf32>
    %mul3A_16 = arith.constant 0.707106769 : f32
    %mul3A_17 = vector.broadcast %mul3A_16 : f32 to vector<128x768xf32>
    %mul3A_18 = arith.mulf %add3A_13, %mul3A_17 : vector<128x768xf32>
    %erf3A = math.erf %mul3A_18 : vector<128x768xf32>
    %add3A_19 = arith.constant 1.000000e+00 : f32
    %add3A_20 = vector.broadcast %add3A_19 : f32 to vector<128x768xf32>
    %add3A_21 = arith.addf %add3A_20, %erf3A : vector<128x768xf32>
    %mul3A_22 = arith.mulf %mul3A_15, %add3A_21 : vector<128x768xf32>
    %iota3A = tpu.iota {dimensions = array<i32: 0>} : vector<128x1xi32>
    %get3A_23 = arith.index_cast %arg0 : i32 to index
    %get3A_24 = memref.load %arg2[%get3A_23] : memref<96xi32, #tpu.memory_space<smem>>
    %lt3A = vector.broadcast %get3A_24 : i32 to vector<128x1xi32>
    %lt3A_25 = arith.cmpi slt, %iota3A, %lt3A : vector<128x1xi32>
    %jit3A = arith.constant 0.000000e+00 : f32
    %broadcast_in_dim3A = vector.shape_cast %lt3A_25 : vector<128x1xi1> to vector<128x1xi1>
    %broadcast_in_dim3A_26 = vector.broadcast %broadcast_in_dim3A : vector<128x1xi1> to vector<128x768xi1>
    %broadcast_in_dim3A_27 = vector.broadcast %jit3A : f32 to vector<128x768xf32>
    %select_n3A = arith.select %broadcast_in_dim3A_26, %mul3A_22, %broadcast_in_dim3A_27 : vector<128x768xi1>, vector<128x768xf32>
    %swap3A = arith.constant 0 : index
    %swap3A_28 = arith.constant 0 : index
    %swap3A_29 = vector.load %arg6[%swap3A, %swap3A_28] : memref<128x768xf32, #tpu.memory_space<vmem>>, vector<128x768xf32>
    tpu.vector_store %arg6[%swap3A, %swap3A_28], %select_n3A {strides = array<i32>} : memref<128x768xf32, #tpu.memory_space<vmem>>, vector<128x768xf32>,
    return
  }
  func.func @transform_0(%arg0: i32, %arg1: memref<96xi32, #tpu.memory_space<smem>>, %arg2: memref<96xi32, #tpu.memory_space<smem>>) -> (i32, i32) {
    %c0_i32 = arith.constant 0 : i32
    %c0_i32_0 = arith.constant 0 : i32
    return %arg0, %c0_i32 : i32, i32
  }
  func.func @transform_1(%arg0: i32, %arg1: memref<96xi32, #tpu.memory_space<smem>>, %arg2: memref<96xi32, #tpu.memory_space<smem>>) -> (i32, i32, i32) {
    %get3A = arith.index_cast %arg0 : i32 to index
    %get3A_0 = memref.load %arg1[%get3A] : memref<96xi32, #tpu.memory_space<smem>>
    %c0_i32 = arith.constant 0 : i32
    %c0_i32_1 = arith.constant 0 : i32
    %c0_i32_2 = arith.constant 0 : i32
    return %get3A_0, %c0_i32, %c0_i32_1 : i32, i32, i32
  }
  func.func @transform_2(%arg0: i32, %arg1: memref<96xi32, #tpu.memory_space<smem>>, %arg2: memref<96xi32, #tpu.memory_space<smem>>) -> (i32, i32, i32) {
    %get3A = arith.index_cast %arg0 : i32 to index
    %get3A_0 = memref.load %arg1[%get3A] : memref<96xi32, #tpu.memory_space<smem>>
    %c0_i32 = arith.constant 0 : i32
    %c0_i32_1 = arith.constant 0 : i32
    %c0_i32_2 = arith.constant 0 : i32
    return %get3A_0, %c0_i32, %c0_i32_1 : i32, i32, i32
  }
  func.func @transform_3(%arg0: i32, %arg1: memref<96xi32, #tpu.memory_space<smem>>, %arg2: memref<96xi32, #tpu.memory_space<smem>>) -> (i32, i32) {
    %c0_i32 = arith.constant 0 : i32
    %c0_i32_0 = arith.constant 0 : i32
    return %arg0, %c0_i32 : i32, i32
  }
}

module attributes {stable_mosaic.version = 14 : i64} {
  func.func @_attn_body(%arg0: i32, %arg1: i32, %arg2: memref<48xi32, #tpu.memory_space<smem>>, %arg3: memref<16xi32, #tpu.memory_space<smem>>, %arg4: memref<16xi32, #tpu.memory_space<smem>>, %arg5: memref<16xi32, #tpu.memory_space<smem>>, %arg6: memref<48xi32, #tpu.memory_space<smem>>, %arg7: memref<128x768xf32, #tpu.memory_space<vmem>>, %arg8: memref<3072x768xf32, #tpu.memory_space<vmem>>, %arg9: memref<128x768xf32, #tpu.memory_space<vmem>>) attributes {dimension_semantics = [#tpu.dimension_semantics<arbitrary>, #tpu.dimension_semantics<arbitrary>], iteration_bounds = array<i64: 2, 24>, scalar_prefetch = 5 : i64, scratch_operands = 0 : i64, tpu.core_type = #tpu.core_type<tc>, window_params = [{transform_indices = @transform_0, window_bounds = array<i64: 128, 768>}, {transform_indices = @transform_1, window_bounds = array<i64: 3072, 768>}, {transform_indices = @transform_2, window_bounds = array<i64: 128, 768>}]} {
    %mul3A = arith.constant 24 : i32
    %mul3A_0 = arith.muli %arg0, %mul3A : i32
    %add3A = arith.addi %mul3A_0, %arg1 : i32
    %get3A = arith.index_cast %add3A : i32 to index
    %get3A_1 = memref.load %arg2[%get3A] : memref<48xi32, #tpu.memory_space<smem>>
    %mul3A_2 = arith.constant 8 : i32
    %mul3A_3 = arith.muli %arg0, %mul3A_2 : i32
    %add3A_4 = arith.addi %mul3A_3, %get3A_1 : i32
    %get3A_5 = arith.index_cast %add3A_4 : i32 to index
    %get3A_6 = memref.load %arg3[%get3A_5] : memref<16xi32, #tpu.memory_space<smem>>
    %mul3A_7 = arith.constant 8 : i32
    %mul3A_8 = arith.muli %arg0, %mul3A_7 : i32
    %add3A_9 = arith.addi %mul3A_8, %get3A_1 : i32
    %get3A_10 = arith.index_cast %add3A_9 : i32 to index
    %get3A_11 = memref.load %arg4[%get3A_10] : memref<16xi32, #tpu.memory_space<smem>>
    %mul3A_12 = arith.constant 8 : i32
    %mul3A_13 = arith.muli %arg0, %mul3A_12 : i32
    %add3A_14 = arith.addi %mul3A_13, %get3A_1 : i32
    %get3A_15 = arith.index_cast %add3A_14 : i32 to index
    %get3A_16 = memref.load %arg5[%get3A_15] : memref<16xi32, #tpu.memory_space<smem>>
    %mul3A_17 = arith.constant 24 : i32
    %mul3A_18 = arith.muli %arg0, %mul3A_17 : i32
    %add3A_19 = arith.addi %mul3A_18, %arg1 : i32
    %get3A_20 = arith.index_cast %add3A_19 : i32 to index
    %get3A_21 = memref.load %arg6[%get3A_20] : memref<48xi32, #tpu.memory_space<smem>>
    %gt3A = arith.constant 0 : i32
    %gt3A_22 = arith.cmpi sgt, %get3A_21, %gt3A : i32
    %jit3A = arith.constant 0 : i32
    %select_n3A = arith.select %gt3A_22, %get3A_11, %jit3A : i32
    %get3A_23 = arith.constant 0 : index
    %get3A_24 = arith.constant 0 : index
    %get3A_25 = vector.load %arg7[%get3A_23, %get3A_24] : memref<128x768xf32, #tpu.memory_space<vmem>>, vector<128x768xf32>
    %broadcast_in_dim3A = arith.constant -3.400000e+38 : f32
    %broadcast_in_dim3A_26 = vector.broadcast %broadcast_in_dim3A : f32 to vector<128x1xf32>
    %broadcast_in_dim3A_27 = arith.constant 0.000000e+00 : f32
    %broadcast_in_dim3A_28 = vector.broadcast %broadcast_in_dim3A_27 : f32 to vector<128x1xf32>
    %broadcast_in_dim3A_29 = arith.constant 0.000000e+00 : f32
    %broadcast_in_dim3A_30 = vector.broadcast %broadcast_in_dim3A_29 : f32 to vector<128x768xf32>
    %while3A = arith.constant 0 : i32
    %while3A_31 = arith.subi %select_n3A, %while3A : i32
    %while3A_32 = arith.addi %while3A, %while3A_31 : i32
    %while3A_33 = arith.constant 1 : i32
    %while3A_34 = arith.divsi %while3A_31, %while3A_33 : i32
    %while3A_35 = arith.muli %while3A_34, %while3A_33 : i32
    %while3A_36 = arith.addi %while3A, %while3A_35 : i32
    %while3A_37 = arith.constant 1 : i32
    %while3A_38:3 = scf.for %while3A_52 = %while3A to %while3A_36 step %while3A_37 iter_args(%while3A_53 = %broadcast_in_dim3A_26, %while3A_54 = %broadcast_in_dim3A_28, %while3A_55 = %broadcast_in_dim3A_30) -> (vector<128x1xf32>, vector<128x1xf32>, vector<128x768xf32>)  : i32 {
      %add3A_56 = arith.addi %get3A_6, %while3A_52 : i32
      %mul3A_57 = arith.constant 128 : i32
      %mul3A_58 = arith.muli %add3A_56, %mul3A_57 : i32
      %get3A_59 = arith.index_cast %mul3A_58 : i32 to index
      %get3A_60 = arith.constant 0 : index
      %get3A_61 = vector.load %arg8[%get3A_59, %get3A_60] : memref<3072x768xf32, #tpu.memory_space<vmem>>, vector<128x768xf32>
      %dot_general3A = arith.constant dense<0.000000e+00> : vector<128x128xf32>
      %dot_general3A_62 = tpu.matmul %get3A_25, %get3A_61, %dot_general3A {dimension_numbers = #tpu.dot_dimension_numbers<[1], [1], [0], [0], [0, 0, 1, 0], [], []>, transpose_lhs_hint = false} : vector<128x768xf32>, vector<128x768xf32>, vector<128x128xf32> -> vector<128x128xf32>
      %mul3A_63 = arith.constant 0.0360843912 : f32
      %mul3A_64 = vector.broadcast %mul3A_63 : f32 to vector<128x128xf32>
      %mul3A_65 = arith.mulf %dot_general3A_62, %mul3A_64 : vector<128x128xf32>
      %mul3A_66 = arith.constant 128 : i32
      %mul3A_67 = arith.muli %while3A_52, %mul3A_66 : i32
      %sub3A = arith.subi %get3A_16, %mul3A_67 : i32
      %iota3A = tpu.iota {dimensions = array<i32: 1>} : vector<128x128xi32>
      %lt3A = vector.broadcast %sub3A : i32 to vector<128x128xi32>
      %lt3A_68 = arith.cmpi slt, %iota3A, %lt3A : vector<128x128xi32>
      %jit3A_69 = arith.constant -3.400000e+38 : f32
      %broadcast_in_dim3A_70 = vector.broadcast %jit3A_69 : f32 to vector<128x128xf32>
      %select_n3A_71 = arith.select %lt3A_68, %mul3A_65, %broadcast_in_dim3A_70 : vector<128x128xi1>, vector<128x128xf32>
      %reduce_max3A = arith.constant dense<0xFF800000> : vector<128xf32>
      %reduce_max3A_72 = vector.multi_reduction <maximumf>, %select_n3A_71, %reduce_max3A [1] : vector<128x128xf32> to vector<128xf32>
      %broadcast_in_dim3A_73 = vector.shape_cast %reduce_max3A_72 : vector<128xf32> to vector<128x1xf32>
      %max3A = arith.maximumf %while3A_53, %broadcast_in_dim3A_73 : vector<128x1xf32>
      %sub3A_74 = vector.broadcast %max3A : vector<128x1xf32> to vector<128x128xf32>
      %sub3A_75 = arith.subf %select_n3A_71, %sub3A_74 : vector<128x128xf32>
      %exp3A = math.exp %sub3A_75 : vector<128x128xf32>
      %jit3A_76 = arith.constant 0.000000e+00 : f32
      %broadcast_in_dim3A_77 = vector.broadcast %jit3A_76 : f32 to vector<128x128xf32>
      %select_n3A_78 = arith.select %lt3A_68, %exp3A, %broadcast_in_dim3A_77 : vector<128x128xi1>, vector<128x128xf32>
      %sub3A_79 = arith.subf %while3A_53, %max3A : vector<128x1xf32>
      %exp3A_80 = math.exp %sub3A_79 : vector<128x1xf32>
      %mul3A_81 = arith.mulf %while3A_54, %exp3A_80 : vector<128x1xf32>
      %reduce_sum3A = arith.constant dense<0.000000e+00> : vector<128xf32>
      %reduce_sum3A_82 = vector.multi_reduction <add>, %select_n3A_78, %reduce_sum3A [1] : vector<128x128xf32> to vector<128xf32>
      %broadcast_in_dim3A_83 = vector.shape_cast %reduce_sum3A_82 : vector<128xf32> to vector<128x1xf32>
      %add3A_84 = arith.addf %mul3A_81, %broadcast_in_dim3A_83 : vector<128x1xf32>
      %mul3A_85 = vector.broadcast %exp3A_80 : vector<128x1xf32> to vector<128x768xf32>
      %mul3A_86 = arith.mulf %while3A_55, %mul3A_85 : vector<128x768xf32>
      %dot_general3A_87 = arith.constant dense<0.000000e+00> : vector<128x768xf32>
      %dot_general3A_88 = tpu.matmul %select_n3A_78, %get3A_61, %dot_general3A_87 {dimension_numbers = #tpu.dot_dimension_numbers<[1], [0], [0], [1], [0, 0, 1, 1], [], []>, transpose_lhs_hint = false} : vector<128x128xf32>, vector<128x768xf32>, vector<128x768xf32> -> vector<128x768xf32>
      %add3A_89 = arith.addf %mul3A_86, %dot_general3A_88 : vector<128x768xf32>
      scf.yield %max3A, %add3A_84, %add3A_89 : vector<128x1xf32>, vector<128x1xf32>, vector<128x768xf32>
    }
    %while3A_39 = arith.constant 1 : i32
    %while3A_40:3 = scf.for %while3A_52 = %while3A_36 to %while3A_32 step %while3A_39 iter_args(%while3A_53 = %while3A_38#0, %while3A_54 = %while3A_38#1, %while3A_55 = %while3A_38#2) -> (vector<128x1xf32>, vector<128x1xf32>, vector<128x768xf32>)  : i32 {
      %add3A_56 = arith.addi %get3A_6, %while3A_52 : i32
      %mul3A_57 = arith.constant 128 : i32
      %mul3A_58 = arith.muli %add3A_56, %mul3A_57 : i32
      %get3A_59 = arith.index_cast %mul3A_58 : i32 to index
      %get3A_60 = arith.constant 0 : index
      %get3A_61 = vector.load %arg8[%get3A_59, %get3A_60] : memref<3072x768xf32, #tpu.memory_space<vmem>>, vector<128x768xf32>
      %dot_general3A = arith.constant dense<0.000000e+00> : vector<128x128xf32>
      %dot_general3A_62 = tpu.matmul %get3A_25, %get3A_61, %dot_general3A {dimension_numbers = #tpu.dot_dimension_numbers<[1], [1], [0], [0], [0, 0, 1, 0], [], []>, transpose_lhs_hint = false} : vector<128x768xf32>, vector<128x768xf32>, vector<128x128xf32> -> vector<128x128xf32>
      %mul3A_63 = arith.constant 0.0360843912 : f32
      %mul3A_64 = vector.broadcast %mul3A_63 : f32 to vector<128x128xf32>
      %mul3A_65 = arith.mulf %dot_general3A_62, %mul3A_64 : vector<128x128xf32>
      %mul3A_66 = arith.constant 128 : i32
      %mul3A_67 = arith.muli %while3A_52, %mul3A_66 : i32
      %sub3A = arith.subi %get3A_16, %mul3A_67 : i32
      %iota3A = tpu.iota {dimensions = array<i32: 1>} : vector<128x128xi32>
      %lt3A = vector.broadcast %sub3A : i32 to vector<128x128xi32>
      %lt3A_68 = arith.cmpi slt, %iota3A, %lt3A : vector<128x128xi32>
      %jit3A_69 = arith.constant -3.400000e+38 : f32
      %broadcast_in_dim3A_70 = vector.broadcast %jit3A_69 : f32 to vector<128x128xf32>
      %select_n3A_71 = arith.select %lt3A_68, %mul3A_65, %broadcast_in_dim3A_70 : vector<128x128xi1>, vector<128x128xf32>
      %reduce_max3A = arith.constant dense<0xFF800000> : vector<128xf32>
      %reduce_max3A_72 = vector.multi_reduction <maximumf>, %select_n3A_71, %reduce_max3A [1] : vector<128x128xf32> to vector<128xf32>
      %broadcast_in_dim3A_73 = vector.shape_cast %reduce_max3A_72 : vector<128xf32> to vector<128x1xf32>
      %max3A = arith.maximumf %while3A_53, %broadcast_in_dim3A_73 : vector<128x1xf32>
      %sub3A_74 = vector.broadcast %max3A : vector<128x1xf32> to vector<128x128xf32>
      %sub3A_75 = arith.subf %select_n3A_71, %sub3A_74 : vector<128x128xf32>
      %exp3A = math.exp %sub3A_75 : vector<128x128xf32>
      %jit3A_76 = arith.constant 0.000000e+00 : f32
      %broadcast_in_dim3A_77 = vector.broadcast %jit3A_76 : f32 to vector<128x128xf32>
      %select_n3A_78 = arith.select %lt3A_68, %exp3A, %broadcast_in_dim3A_77 : vector<128x128xi1>, vector<128x128xf32>
      %sub3A_79 = arith.subf %while3A_53, %max3A : vector<128x1xf32>
      %exp3A_80 = math.exp %sub3A_79 : vector<128x1xf32>
      %mul3A_81 = arith.mulf %while3A_54, %exp3A_80 : vector<128x1xf32>
      %reduce_sum3A = arith.constant dense<0.000000e+00> : vector<128xf32>
      %reduce_sum3A_82 = vector.multi_reduction <add>, %select_n3A_78, %reduce_sum3A [1] : vector<128x128xf32> to vector<128xf32>
      %broadcast_in_dim3A_83 = vector.shape_cast %reduce_sum3A_82 : vector<128xf32> to vector<128x1xf32>
      %add3A_84 = arith.addf %mul3A_81, %broadcast_in_dim3A_83 : vector<128x1xf32>
      %mul3A_85 = vector.broadcast %exp3A_80 : vector<128x1xf32> to vector<128x768xf32>
      %mul3A_86 = arith.mulf %while3A_55, %mul3A_85 : vector<128x768xf32>
      %dot_general3A_87 = arith.constant dense<0.000000e+00> : vector<128x768xf32>
      %dot_general3A_88 = tpu.matmul %select_n3A_78, %get3A_61, %dot_general3A_87 {dimension_numbers = #tpu.dot_dimension_numbers<[1], [0], [0], [1], [0, 0, 1, 1], [], []>, transpose_lhs_hint = false} : vector<128x128xf32>, vector<128x768xf32>, vector<128x768xf32> -> vector<128x768xf32>
      %add3A_89 = arith.addf %mul3A_86, %dot_general3A_88 : vector<128x768xf32>
      scf.yield %max3A, %add3A_84, %add3A_89 : vector<128x1xf32>, vector<128x1xf32>, vector<128x768xf32>
    }
    %gt3A_41 = arith.constant 0.000000e+00 : f32
    %gt3A_42 = vector.broadcast %gt3A_41 : f32 to vector<128x1xf32>
    %gt3A_43 = arith.cmpf ogt, %while3A_40#1, %gt3A_42 : vector<128x1xf32>
    %div3A = vector.broadcast %while3A_40#1 : vector<128x1xf32> to vector<128x768xf32>
    %div3A_44 = arith.divf %while3A_40#2, %div3A : vector<128x768xf32>
    %jit3A_45 = arith.constant 0.000000e+00 : f32
    %broadcast_in_dim3A_46 = vector.shape_cast %gt3A_43 : vector<128x1xi1> to vector<128x1xi1>
    %broadcast_in_dim3A_47 = vector.broadcast %broadcast_in_dim3A_46 : vector<128x1xi1> to vector<128x768xi1>
    %broadcast_in_dim3A_48 = vector.broadcast %jit3A_45 : f32 to vector<128x768xf32>
    %select_n3A_49 = arith.select %broadcast_in_dim3A_47, %div3A_44, %broadcast_in_dim3A_48 : vector<128x768xi1>, vector<128x768xf32>
    %swap3A = arith.constant 0 : index
    %swap3A_50 = arith.constant 0 : index
    %swap3A_51 = vector.load %arg9[%swap3A, %swap3A_50] : memref<128x768xf32, #tpu.memory_space<vmem>>, vector<128x768xf32>
    tpu.vector_store %arg9[%swap3A, %swap3A_50], %select_n3A_49 {strides = array<i32>} : memref<128x768xf32, #tpu.memory_space<vmem>>, vector<128x768xf32>,
    return
  }
  func.func @transform_0(%arg0: i32, %arg1: i32, %arg2: memref<48xi32, #tpu.memory_space<smem>>, %arg3: memref<16xi32, #tpu.memory_space<smem>>, %arg4: memref<16xi32, #tpu.memory_space<smem>>, %arg5: memref<16xi32, #tpu.memory_space<smem>>, %arg6: memref<48xi32, #tpu.memory_space<smem>>) -> (i32, i32) {
    %mul3A = arith.constant 24 : i32
    %mul3A_0 = arith.muli %arg0, %mul3A : i32
    %add3A = arith.addi %mul3A_0, %arg1 : i32
    %c0_i32 = arith.constant 0 : i32
    %c0_i32_1 = arith.constant 0 : i32
    return %add3A, %c0_i32 : i32, i32
  }
  func.func @transform_1(%arg0: i32, %arg1: i32, %arg2: memref<48xi32, #tpu.memory_space<smem>>, %arg3: memref<16xi32, #tpu.memory_space<smem>>, %arg4: memref<16xi32, #tpu.memory_space<smem>>, %arg5: memref<16xi32, #tpu.memory_space<smem>>, %arg6: memref<48xi32, #tpu.memory_space<smem>>) -> (i32, i32) {
    %add3A = arith.constant 2 : i32
    %add3A_0 = arith.addi %add3A, %arg0 : i32
    %c0_i32 = arith.constant 0 : i32
    %c0_i32_1 = arith.constant 0 : i32
    return %add3A_0, %c0_i32 : i32, i32
  }
  func.func @transform_2(%arg0: i32, %arg1: i32, %arg2: memref<48xi32, #tpu.memory_space<smem>>, %arg3: memref<16xi32, #tpu.memory_space<smem>>, %arg4: memref<16xi32, #tpu.memory_space<smem>>, %arg5: memref<16xi32, #tpu.memory_space<smem>>, %arg6: memref<48xi32, #tpu.memory_space<smem>>) -> (i32, i32) {
    %mul3A = arith.constant 24 : i32
    %mul3A_0 = arith.muli %arg0, %mul3A : i32
    %add3A = arith.addi %mul3A_0, %arg1 : i32
    %c0_i32 = arith.constant 0 : i32
    %c0_i32_1 = arith.constant 0 : i32
    return %add3A, %c0_i32 : i32, i32
  }
}

</mosaic_0001>

<sc_bundles>
// kernel: kernel.10.cloned.1.call-start
scs
__scs_entry_jumppad:
0x0: {  	(pc) =	sbr.rel $0x88, $3  }
0x1: {  	(tag) =	ssettag $0x0;
	lr =	simm.s32 $0x1  }
0x2: {  	[smem:$0x3F9A] =	sst lr;
	_ =	strace $0xD0000000  }
0x3: {  	_ = 	snop  }
0x4: {  	_ = 	snop  }
0x5: {  	_ = 	snop  }
0x6: {  	_ = 	snop  }
0x7: {  	_ = 	snop  }
__scs_overlays_trampoline_lowered:
0x8: {  	[smem:$0x3FA9] =	sst s0  }
0x9: {  	[smem:$0x3FAA] =	sst s1  }
0xa: {  	[smem:$0x3FAB] =	sst s2  }
0xb: {  	[smem:$0x3FAC] =	sst s3  }
0xc: {  	[smem:$0x3FAD] =	sst s4  }
0xd: {  	[smem:$0x3FAE] =	sst s5  }
0xe: {  	[smem:$0x3FAF] =	sst s6  }
0xf: {  	[smem:$0x3FB0] =	sst s7  }
0x10: {  	[smem:$0x3FB1] =	sst s8  }
0x11: {  	[smem:$0x3FB2] =	sst s9;
	s0 =	simm.s32 @!p0 $0x0  }
0x12: {  	s1 =	sld [smem:$0x3F98];
	s0 =	simm.s32 @p0 $0x1  }
0x13: {  	[smem:$0x3FB3] =	sst s0;
	s0 =	simm.s32 @!p1 $0x0  }
0x14: {  	s2 =	sld [smem:$0x3F97];
	s0 =	simm.s32 @p1 $0x1  }
0x15: {  	[smem:$0x3FB4] =	sst s0;
	s0 =	simm.s32 @!p2 $0x0  }
0x16: {  	s3 =	sld [smem:$0x3FDB];
	s0 =	simm.s32 @p2 $0x1  }
0x17: {  	s4 =	simm.s32 $0x1BF5;
	[smem:$0x3FB6] =	sst s0  }
0x18: {  	s0 =	sld [smem:$0x3F99];
	_ =	swait.ge [sflag:s4], $0x0  }
0x19: {  	s7 =	sld [smem:$0x3F9A]  }
0x1a: {  	s8 =	sadd.s32 $0xFFFFE003, lr  }
0x1b: {  	s9 =	sadd.s32 $0xFFFFFEF7, lr;
	s5 =	simm.s32 $0xFFFFFFFF;
	p2 =	slt.u32 s8, $0xFFFFF086  }
0x1c: {  	p1 =	slt.u32 s9, $0xF7A;
	s5 =	simm.s32 @!p2 $0x0  }
0x1d: {  	s5 =	simm.s32 @p1 $0x1;
	p0 =	seq.s32 s7, s2  }
0x1e: {  	s7 =	smul.u32 @!p0 $0xF7A, s2;
	p2 =	seq.s32 @!p0 s5, $0x0  }
0x1f: {  	s9 =	smul.u32 $0xF7A, s1;
	s8 =	simm.s32 @!p0 $0x1BF5;
	p2 =	por !p2, p0  }
0x20: {  	[sflag:s8] =	ssyncset.s32 @!p0 $0xFFFFF086;
	s6 =	sadd.s32 @!p0 s3, s7;
	s7 =	simm.s32 @!p0 $0x108  }
0x21: {  	s3 =	sadd.s32 s3, s9;
	s6 =	sadd.s32 @!p0 $0x88, s6;
	s7 =	simm.s32 @p2 $0x1082  }
0x22: {  	[simem:s7], [sflag:s8] =	dma.local @!p0 [hbm:s6], $0xF7A  }
0x23: {  	s9 =	sor.u32 $0xD0000000, s2;
	s6 =	simm.s32 $0x108;
	_ =	swait.ge @!p0 [sflag:s8], $0x0  }
0x24: {  	s3 =	sadd.s32 $0x88, s3;
	s6 =	simm.s32 @!p1 $0x1082;
	[sflag:s4] =	ssyncset.s32 $0xFFFFF086  }
0x25: {  	[simem:s6], [sflag:s4] =	dma.local [hbm:s3], $0xF7A  }
0x26: {  	[smem:$0x3F9A] =	sst s1;
	(tag) =	ssettag s2;
	_ =	strace s9  }
0x27: {  	s1 =	sld [smem:$0x3FAA]  }
0x28: {  	s2 =	sld [smem:$0x3FAB]  }
0x29: {  	s4 =	sld [smem:$0x3FAD]  }
0x2a: {  	p0 =	seq.s32 s5, $0x0;
	s5 =	sld [smem:$0x3FAE]  }
0x2b: {  	s6 =	sld [smem:$0x3FAF]  }
0x2c: {  	s7 =	sld [smem:$0x3FB0]  }
0x2d: {  	s3 =	simm.s32 $0x108;
	s8 =	sld [smem:$0x3FB1]  }
0x2e: {  	s3 =	simm.s32 @!p0 $0x1082;
	s9 =	sld [smem:$0x3FB2]  }
0x2f: {  	lr =	sadd.s32 s0, s3;
	s0 =	sld [smem:$0x3FA9]  }
0x30: {  	s3 =	sld [smem:$0x3FAC]  }
0x31: {  	[smem:$0x3FB5] =	sst s10  }
0x32: {  	s10 =	sld [smem:$0x3FB3];
	_ =	sdelay $0x3  }
0x33: {  	p0 =	seq.s32 s10, $0x1;
	s10 =	sld [smem:$0x3FB5];
	_ =	sdelay $0x3  }
0x34: {  	[smem:$0x3FB5] =	sst s10  }
0x35: {  	s10 =	sld [smem:$0x3FB4];
	_ =	sdelay $0x3  }
0x36: {  	p1 =	seq.s32 s10, $0x1;
	s10 =	sld [smem:$0x3FB5];
	_ =	sdelay $0x3  }
0x37: {  	[smem:$0x3FB5] =	sst s10  }
0x38: {  	s10 =	sld [smem:$0x3FB6]  }
0x39: {  	_ = 	snop;
	(pc) =	sbr.ind lr, $3  }
0x3a: {  	_ = 	snop  }
0x3b: {  	_ = 	snop  }
0x3c: {  	p2 =	seq.s32 s10, $0x1;
	s10 =	sld [smem:$0x3FB5]  }
0x3d: {  	_ =	shalt  }
0x3e: {  	_ =	shalt  }
0x3f: {  	_ =	shalt  }
0x40: {  	_ =	shalt  }
0x41: {  	_ =	shalt  }
0x42: {  	_ =	shalt  }
0x43: {  	_ =	shalt  }
0x44: {  	_ =	shalt  }
0x45: {  	_ =	shalt  }
0x46: {  	_ =	shalt  }
0x47: {  	_ =	shalt  }
0x48: {  	_ =	shalt  }
0x49: {  	_ =	shalt  }
0x4a: {  	_ =	shalt  }
0x4b: {  	_ =	shalt  }
0x4c: {  	_ =	shalt  }
0x4d: {  	_ =	shalt  }
0x4e: {  	_ =	shalt  }
0x4f: {  	_ =	shalt  }
0x50: {  	_ =	shalt  }
0x51: {  	_ =	shalt  }
0x52: {  	_ =	shalt  }
0x53: {  	_ =	shalt  }
0x54: {  	_ =	shalt  }
0x55: {  	_ =	shalt  }
0x56: {  	_ =	shalt  }
0x57: {  	_ =	shalt  }
0x58: {  	_ =	shalt  }
0x59: {  	_ =	shalt  }
0x5a: {  	_ =	shalt  }
0x5b: {  	_ =	shalt  }
0x5c: {  	_ =	shalt  }
0x5d: {  	_ =	shalt  }
0x5e: {  	_ =	shalt  }
0x5f: {  	_ =	shalt  }
0x60: {  	_ =	shalt  }
0x61: {  	_ =	shalt  }
0x62: {  	_ =	shalt  }
0x63: {  	_ =	shalt  }
0x64: {  	_ =	shalt  }
0x65: {  	_ =	shalt  }
0x66: {  	_ =	shalt  }
0x67: {  	_ =	shalt  }
0x68: {  	_ =	shalt  }
0x69: {  	_ =	shalt  }
0x6a: {  	_ =	shalt  }
0x6b: {  	_ =	shalt  }
0x6c: {  	_ =	shalt  }
0x6d: {  	_ =	shalt  }
0x6e: {  	_ =	shalt  }
0x6f: {  	_ =	shalt  }
0x70: {  	_ =	shalt  }
0x71: {  	_ =	shalt  }
0x72: {  	_ =	shalt  }
0x73: {  	_ =	shalt  }
0x74: {  	_ =	shalt  }
0x75: {  	_ =	shalt  }
0x76: {  	_ =	shalt  }
0x77: {  	_ =	shalt  }
0x78: {  	_ =	shalt  }
0x79: {  	_ =	shalt  }
0x7a: {  	_ =	shalt  }
0x7b: {  	_ =	shalt  }
0x7c: {  	_ =	shalt  }
0x7d: {  	_ =	shalt  }
0x7e: {  	_ =	shalt  }
0x7f: {  	_ =	shalt  }
0x80: {  	_ =	shalt  }
0x81: {  	_ =	shalt  }
0x82: {  	_ =	shalt  }
0x83: {  	_ =	shalt  }
0x84: {  	_ =	shalt  }
0x85: {  	_ =	shalt  }
0x86: {  	_ =	shalt  }
0x87: {  	_ =	shalt  }
.Lfunc_end0:
.L_simem_size_0:
called_computation.1_lowered:
.L_overlay_start_0:
0x88: {  	s2 =	sld [smem:$0x3FD9]  }
0x89: {  	s3 =	sld [smem:$0x3FFE];
	_ =	sdelay $0x1  }
0x8a: {  	s1 =	srdreg.scid  }
0x8b: {  	s0 =	sand.u32 $0x1, s1  }
0x8c: {  	s17 =	sshll.u32 s0, $0xA;
	s2 =	sadd.s32 s3, s2  }
0x8d: {  	s2 =	sadd.s32 s2, s17  }
0x8e: {  	[smem:$0x3FC1] =	sst s2  }
0x8f: {  	_ = 	snop  }
0x90: {  	s2 =	sld [smem:$0x3FD0];
	(tm) =	ssettm $0x1  }
0x91: {  	s18 =	sld [smem:$0x3FFB];
	_ =	sdelay $0x3  }
0x92: {  	_ =	strace s18  }
0x93: {  	s3 =	sld [smem:$0x3FFC];
	_ =	sdelay $0x3  }
0x94: {  	_ =	strace s3  }
0x95: {  	s3 =	sld [smem:$0x3FFD];
	_ =	sdelay $0x3  }
0x96: {  	_ =	strace s3  }
0x97: {  	_ =	strace $0x8FFFFFFF  }
0x98: {  	s19 =	sld [smem:$0x3FDB];
	_ =	sdelay $0x1  }
0x99: {  	s4 =	simm.s32 $_scs_section_size  }
0x9a: {  	s5 =	simm.s32 $_size__tile_overlayer_lowered;
	s6 =	simm.s32 $_tile_overlayer_lowered  }
0x9b: {  	s22 =	simm.s32 $0x1BFF;
	s21 =	sshll.u32 s6, $0x1;
	s3 =	sadd.s32 s4, s19  }
0x9c: {  	s7 =	simm.s32 $0x0;
	s20 =	sshll.u32 s5, $0x1;
	s5 =	sadd.s32 s21, s3  }
0x9d: {  	[timem:s7], [sflag:s22] =	dma.local [hbm:s5], s20  }
0x9e: {  	_ =	swait.ge [sflag:s22], s20  }
0x9f: {  	s4 =	ssub.s32 $0x0, s20;
	[sflag:s22] =	ssyncset.done $0x0  }
0xa0: {  	[sflag:s22] =	ssyncadd.s32 s4;
	_ =	sdelay $0x1  }
0xa1: {  	s23 =	simm.s32 $0x1B8B  }
0xa2: {  	_ =	swait.ge [sflag:s23], $0x1  }
0xa3: {  	[sflag:s23] =	ssyncset.done $0x0  }
0xa4: {  	s25 =	simm.s32 $0x1B8E;
	s24 =	sld [smem:$0x3FFE];
	[sflag:s23] =	ssyncadd.s32 $0xFFFFFFFF  }
0xa5: {  	s26 =	simm.s32 $execute0_lowered;
	[smem:$0x3FD2] =	sst s25  }
0xa6: {  	s5 =	sshll.u32 s26, $0x1;
	_ =	strace $0x80000049;
	[dreg:$0x1] =	wrdreg $0xFFFFFFFF  }
0xa7: {  	s28 =	simm.s32 $_size_execute0_lowered;
	s3 =	sadd.s32 s3, s5;
	[dreg:$0x0] =	wrdreg $0x0  }
0xa8: {  	s5 =	sshll.u32 s28, $0x1;
	[dreg:$0x2] =	wrdreg s3  }
0xa9: {  	[dreg:$0x3] =	wrdreg s5  }
0xaa: {  	[dreg:$0x4] =	wrdreg $0xC0  }
0xab: {  	_ =	task [dreg:s7], $0x5FFFF  }
0xac: {  	[dreg:$0x1] =	wrdreg $0xFFFFFFFF  }
0xad: {  	[dreg:$0x0] =	wrdreg $0x60  }
0xae: {  	[dreg:$0x2] =	wrdreg s24  }
0xaf: {  	[dreg:$0x3] =	wrdreg s2  }
0xb0: {  	[dreg:$0x4] =	wrdreg $0x9  }
0xb1: {  	_ =	task.clear_ibuf [dreg:s7], $0x5FFFF;
	_ =	strace $0x90000049  }
0xb2: {  	s29 =	simm.s32 $0x9;
	_ =	strace $0x8000004B  }
0xb3: {  	_ =	swait.ge [sflag:s29], $0x1  }
0xb4: {  	[sflag:s29] =	ssyncadd.s32 $0xFFFFFFFF  }
0xb5: {  	_ =	strace $0x9000004B  }
0xb6: {  	_ =	sfence  }
0xb7: {  	s30 =	sld [smem:$0x0];
	_ =	sdelay $0x2  }
0xb8: {  	s31 =	sshll.u32 s1, $0xD;
	s1 =	sshrl.u32 s1, $0x2  }
0xb9: {  	s3 =	sand.u32 $0x4000, s31;
	s1 =	sadd.s32 s1, s30  }
0xba: {  	s0 =	sor.u32 s3, s0;
	s1 =	sshll.u32 s1, $0x11  }
0xbb: {  	s0 =	sor.u32 s1, s0  }
0xbc: {  	s0 =	sadd.s32 $0x8F2B, s0  }
0xbd: {  	[sflag:s0] =	ssyncadd.remote.s32 $0x1  }
0xbe: {  	_ =	sfence.sel $0xFFFF  }
0xbf: {  	[dreg:$0x0] =	wrdreg $0xFFFFFFFF;
	(pc) =	sbr.abs _section_cstart, $3  }
0xc0: {  	[dreg:$0x1] =	wrdreg $0xFFFFFFFF  }
0xc1: {  	_ =	task.clear_ibuf [dreg:s7], $0x2FFFF;
	_ =	strace $0x9FFFFFFF  }
0xc2: {  	(tm) =	ssettm $0x7FFFFFFF  }
0xc3: {  	_ =	shalt  }
tec
execute0_lowered:
.L_overlay_start_1:
0x0: {  	(tag) =	ssettag $0x1  }
0x1: {  	s2 =	srdreg.scid;
	s1 =	rddreg [dreg:$0x0]  }
0x2: {  	s3 =	rddreg [dreg:$0x1];
	s4 =	sand.u32 $0x1, s2;
	s2 =	simm.s32 $0x0  }
0x3: {  	s0 =	stileid.u32;
	s25 =	simm.s32 $0x880;
	[smem:$0x7FF] =	sst s2  }
0x4: {  	s26 =	simm.s32 $0x1080;
	_ =	strace $0x8000004A;
	[dreg:$0x5] =	wrdreg s25  }
0x5: {  	s5 =	sshll.u32 s0, $0x5;
	s0 =	simm.s32 $0x1880;
	[dreg:$0x6] =	wrdreg s26  }
0x6: {  	s7 =	simm.s32 $0x3080;
	[dreg:$0x7] =	wrdreg s0  }
0x7: {  	s8 =	simm.s32 $0x3880;
	[dreg:$0xa] =	wrdreg s7  }
0x8: {  	s9 =	simm.s32 $0x4080;
	[dreg:$0xb] =	wrdreg s8  }
0x9: {  	s10 =	simm.s32 $0x4880;
	[dreg:$0xc] =	wrdreg s9  }
0xa: {  	s11 =	simm.s32 $0x5080;
	[dreg:$0xd] =	wrdreg s10  }
0xb: {  	s12 =	simm.s32 $0x5880;
	[dreg:$0xe] =	wrdreg s11  }
0xc: {  	s13 =	simm.s32 $0x6080;
	[dreg:$0xf] =	wrdreg s12  }
0xd: {  	s14 =	simm.s32 $0x6880;
	[dreg:$0x10] =	wrdreg s13  }
0xe: {  	s15 =	simm.s32 $0x7080;
	[dreg:$0x11] =	wrdreg s14  }
0xf: {  	s16 =	simm.s32 $0x7880;
	s17 =	simm.s32 $0x8080;
	[dreg:$0x12] =	wrdreg s15  }
0x10: {  	s18 =	simm.s32 $0x8880;
	s19 =	simm.s32 $0x9080;
	[dreg:$0x13] =	wrdreg s16  }
0x11: {  	s21 =	simm.s32 $0x9880;
	s22 =	simm.s32 $0xA080;
	[dreg:$0x14] =	wrdreg s17  }
0x12: {  	s23 =	simm.s32 $0xB080;
	s24 =	simm.s32 $0xB880;
	[dreg:$0x15] =	wrdreg s18  }
0x13: {  	s28 =	simm.s32 $0x16080;
	s29 =	simm.s32 $0x16880;
	[dreg:$0x16] =	wrdreg s19  }
0x14: {  	s30 =	simm.s32 $0x17080;
	s31 =	simm.s32 $0x17880;
	[dreg:$0x17] =	wrdreg s21  }
0x15: {  	s6 =	sshll.u32 s4, $0x4;
	s4 =	ssub.s32 $0x2, s4;
	[dreg:$0x18] =	wrdreg s22  }
0x16: {  	s5 =	sor.u32 s6, s5;
	s20 =	sshrl.u32 s4, $0x1;
	[dreg:$0x1a] =	wrdreg s23  }
0x17: {  	s7 =	simm.s32 $0xA880;
	[dreg:$0x1b] =	wrdreg s24;
	s25 =	simm.s32 $0xC080  }
0x18: {  	s8 =	simm.s32 $0x80;
	s26 =	simm.s32 $0xC880;
	s10 =	simm.s32 $0xD880  }
0x19: {  	s11 =	simm.s32 $0xE080;
	s12 =	simm.s32 $0xE880;
	s13 =	simm.s32 $0xF080  }
0x1a: {  	s14 =	simm.s32 $0xF880;
	s15 =	simm.s32 $0x10080;
	s16 =	simm.s32 $0x10880  }
0x1b: {  	s17 =	simm.s32 $0x11080;
	s18 =	simm.s32 $0x11880;
	s19 =	simm.s32 $0x12080  }
0x1c: {  	s21 =	simm.s32 $0x13080;
	s22 =	simm.s32 $0x13880;
	[dreg:$0x19] =	wrdreg s7  }
0x1d: {  	s6 =	sadd.s32 s5, s1;
	s5 =	smul.u32 $0x300, s5;
	[dreg:$0x1c] =	wrdreg s25  }
0x1e: {  	s23 =	simm.s32 $0x14080;
	[dreg:$0x1d] =	wrdreg s26;
	s6 =	sadd.s32 $0x1E0800, s6  }
0x1f: {  	s24 =	simm.s32 $0x14880;
	[dreg:$0x3] =	wrdreg s6;
	s3 =	sadd.s32 s3, s5  }
0x20: {  	s7 =	simm.s32 $0x2;
	s5 =	simm.s32 $0x2080;
	[dreg:$0x4] =	wrdreg s3  }
0x21: {  	s25 =	simm.s32 $0x15080;
	s6 =	simm.s32 $0x2880;
	[dreg:$0x8] =	wrdreg s5  }
0x22: {  	v2 =	vlaneseq.u32;
	s26 =	simm.s32 $0x15880;
	[dreg:$0x9] =	wrdreg s6;
	s3 =	sadd.s32 $0x800, s1  }
0x23: {  	vm0 =	vmmov $0xffff;
	v1 =	vshrl.u32 v2, $0x3;
	s6 =	ssub.s32 s4, s20;
	s4 =	sadd.s32 $0x900, s1;
	s5 =	sadd.s32 $0xA00, s1  }
0x24: {  	v0 =	vand.u32 $0x7, v2;
	v2 =	vor.u32 $0x8, v2;
	v1 =	vmul.u32 $0x8, v1;
	s20 =	simm.s32 $0x12880;
	s1 =	simm.s32 $0x1;
	s6 =	smax.u32 s6, $0x1  }
.LBB2_1:
0x25: {  	s0 =	rddreg [dreg:$0x3]  }
0x26: {  	[tilespmem:s2], [sflag:$0x2] =	stream.linear.gather [hbm4b:s0+s2], $0x80, $0x38;
	[tilespmem:$0x18080] =	vst v63  }
0x27: {  	_ =	swait.ge [sflag:s7], $0x80  }
0x28: {  	[sflag:s7] =	ssyncset.done $0x0  }
0x29: {  	[sflag:s7] =	ssyncadd.s32 $0xFFFFFF80  }
0x2a: {  	v3 =	vld [tilespmem:$0x0];
	_ =	sdelay $0x4  }
0x2b: {  	v4 =	vshrl.u32 v3, $0x3  }
0x2c: {  	v4 =	vmul.u32 $0x30, v4  }
0x2d: {  	v3 =	vand.u32 $0x7, v3  }
0x2e: {  	v3 =	vor.u32 v3, v4  }
0x2f: {  	v4 =	vperm.xlane v3, v0;
	_ =	sdelay $0x1  }
0x30: {  	v4 =	vadd.s32 v1, v4;
	_ =	sdelay $0x3  }
0x31: {  	v3 =	vperm.xlane v3, v2  }
0x32: {  	[tilespmem:s8], [sflag:$0x1] =	stream.indirect_vreg.gather [hbm4b:s3+s2], $0x80, v4, vm0, $0xb8;
	[tilespmem:$0x18080] =	vst v63  }
0x33: {  	s0 =	rddreg [dreg:$0x5];
	v3 =	vadd.s32 v1, v3  }
0x34: {  	[tilespmem:s0], [sflag:$0x1] =	stream.indirect_vreg.gather [hbm4b:s4+s2], $0x80, v4, vm0, $0xb8;
	[tilespmem:$0x18080] =	vst v63  }
0x35: {  	s9 =	rddreg [dreg:$0x6]  }
0x36: {  	[tilespmem:s9], [sflag:$0x1] =	stream.indirect_vreg.gather [hbm4b:s5+s2], $0x80, v4, vm0, $0xb8;
	[tilespmem:$0x18080] =	vst v63  }
0x37: {  	s0 =	rddreg [dreg:$0x7]  }
0x38: {  	[tilespmem:s0], [sflag:$0x1] =	stream.indirect_vreg.gather [hbm4b:s3+s2], $0x80, v3, vm0, $0xb8;
	[tilespmem:$0x18080] =	vst v63  }
0x39: {  	s9 =	rddreg [dreg:$0x8]  }
0x3a: {  	[tilespmem:s9], [sflag:$0x1] =	stream.indirect_vreg.gather [hbm4b:s4+s2], $0x80, v3, vm0, $0xb8;
	[tilespmem:$0x18080] =	vst v63  }
0x3b: {  	s0 =	rddreg [dreg:$0x9]  }
0x3c: {  	[tilespmem:s0], [sflag:$0x1] =	stream.indirect_vreg.gather [hbm4b:s5+s2], $0x80, v3, vm0, $0xb8;
	[tilespmem:$0x18080] =	vst v63  }
0x3d: {  	v3 =	vld [tilespmem:$0x10];
	_ =	sdelay $0x4  }
0x3e: {  	v57 =	vshrl.u32 v3, $0x3  }
0x3f: {  	v4 =	vmul.u32 $0x30, v57  }
0x40: {  	v3 =	vand.u32 $0x7, v3  }
0x41: {  	v3 =	vor.u32 v3, v4  }
0x42: {  	v4 =	vperm.xlane v3, v0;
	_ =	sdelay $0x1  }
0x43: {  	v4 =	vadd.s32 v1, v4;
	_ =	sdelay $0x3  }
0x44: {  	s0 =	rddreg [dreg:$0xa];
	v3 =	vperm.xlane v3, v2  }
0x45: {  	[tilespmem:s0], [sflag:$0x1] =	stream.indirect_vreg.gather [hbm4b:s3+s2], $0x80, v4, vm0, $0xb8;
	[tilespmem:$0x18080] =	vst v63  }
0x46: {  	s9 =	rddreg [dreg:$0xb];
	v3 =	vadd.s32 v1, v3  }
0x47: {  	[tilespmem:s9], [sflag:$0x1] =	stream.indirect_vreg.gather [hbm4b:s4+s2], $0x80, v4, vm0, $0xb8;
	[tilespmem:$0x18080] =	vst v63  }
0x48: {  	s0 =	rddreg [dreg:$0xc]  }
0x49: {  	[tilespmem:s0], [sflag:$0x1] =	stream.indirect_vreg.gather [hbm4b:s5+s2], $0x80, v4, vm0, $0xb8;
	[tilespmem:$0x18080] =	vst v63  }
0x4a: {  	s9 =	rddreg [dreg:$0xd]  }
0x4b: {  	[tilespmem:s9], [sflag:$0x1] =	stream.indirect_vreg.gather [hbm4b:s3+s2], $0x80, v3, vm0, $0xb8;
	[tilespmem:$0x18080] =	vst v63  }
0x4c: {  	s0 =	rddreg [dreg:$0xe]  }
0x4d: {  	[tilespmem:s0], [sflag:$0x1] =	stream.indirect_vreg.gather [hbm4b:s4+s2], $0x80, v3, vm0, $0xb8;
	[tilespmem:$0x18080] =	vst v63  }
0x4e: {  	s9 =	rddreg [dreg:$0xf]  }
0x4f: {  	[tilespmem:s9], [sflag:$0x1] =	stream.indirect_vreg.gather [hbm4b:s5+s2], $0x80, v3, vm0, $0xb8;
	[tilespmem:$0x18080] =	vst v63  }
0x50: {  	v3 =	vld [tilespmem:$0x20];
	_ =	sdelay $0x4  }
0x51: {  	v58 =	vshrl.u32 v3, $0x3  }
0x52: {  	v4 =	vmul.u32 $0x30, v58  }
0x53: {  	v3 =	vand.u32 $0x7, v3  }
0x54: {  	v3 =	vor.u32 v3, v4  }
0x55: {  	v4 =	vperm.xlane v3, v0;
	_ =	sdelay $0x1  }
0x56: {  	v4 =	vadd.s32 v1, v4;
	_ =	sdelay $0x3  }
0x57: {  	s0 =	rddreg [dreg:$0x10];
	v3 =	vperm.xlane v3, v2  }
0x58: {  	[tilespmem:s0], [sflag:$0x1] =	stream.indirect_vreg.gather [hbm4b:s3+s2], $0x80, v4, vm0, $0xb8;
	[tilespmem:$0x18080] =	vst v63  }
0x59: {  	s9 =	rddreg [dreg:$0x11];
	v3 =	vadd.s32 v1, v3  }
0x5a: {  	[tilespmem:s9], [sflag:$0x1] =	stream.indirect_vreg.gather [hbm4b:s4+s2], $0x80, v4, vm0, $0xb8;
	[tilespmem:$0x18080] =	vst v63  }
0x5b: {  	s0 =	rddreg [dreg:$0x12]  }
0x5c: {  	[tilespmem:s0], [sflag:$0x1] =	stream.indirect_vreg.gather [hbm4b:s5+s2], $0x80, v4, vm0, $0xb8;
	[tilespmem:$0x18080] =	vst v63  }
0x5d: {  	s9 =	rddreg [dreg:$0x13]  }
0x5e: {  	[tilespmem:s9], [sflag:$0x1] =	stream.indirect_vreg.gather [hbm4b:s3+s2], $0x80, v3, vm0, $0xb8;
	[tilespmem:$0x18080] =	vst v63  }
0x5f: {  	s0 =	rddreg [dreg:$0x14]  }
0x60: {  	[tilespmem:s0], [sflag:$0x1] =	stream.indirect_vreg.gather [hbm4b:s4+s2], $0x80, v3, vm0, $0xb8;
	[tilespmem:$0x18080] =	vst v63  }
0x61: {  	s9 =	rddreg [dreg:$0x15]  }
0x62: {  	[tilespmem:s9], [sflag:$0x1] =	stream.indirect_vreg.gather [hbm4b:s5+s2], $0x80, v3, vm0, $0xb8;
	[tilespmem:$0x18080] =	vst v63  }
0x63: {  	v3 =	vld [tilespmem:$0x30];
	_ =	sdelay $0x4  }
0x64: {  	v59 =	vshrl.u32 v3, $0x3  }
0x65: {  	v4 =	vmul.u32 $0x30, v59  }
0x66: {  	v3 =	vand.u32 $0x7, v3  }
0x67: {  	v3 =	vor.u32 v3, v4  }
0x68: {  	v4 =	vperm.xlane v3, v0;
	_ =	sdelay $0x1  }
0x69: {  	v4 =	vadd.s32 v1, v4;
	_ =	sdelay $0x3  }
0x6a: {  	s0 =	rddreg [dreg:$0x16];
	v3 =	vperm.xlane v3, v2  }
0x6b: {  	[tilespmem:s0], [sflag:$0x1] =	stream.indirect_vreg.gather [hbm4b:s3+s2], $0x80, v4, vm0, $0xb8;
	[tilespmem:$0x18080] =	vst v63  }
0x6c: {  	s9 =	rddreg [dreg:$0x17];
	v3 =	vadd.s32 v1, v3  }
0x6d: {  	[tilespmem:s9], [sflag:$0x1] =	stream.indirect_vreg.gather [hbm4b:s4+s2], $0x80, v4, vm0, $0xb8;
	[tilespmem:$0x18080] =	vst v63  }
0x6e: {  	s0 =	rddreg [dreg:$0x18]  }
0x6f: {  	[tilespmem:s0], [sflag:$0x1] =	stream.indirect_vreg.gather [hbm4b:s5+s2], $0x80, v4, vm0, $0xb8;
	[tilespmem:$0x18080] =	vst v63  }
0x70: {  	s9 =	rddreg [dreg:$0x19]  }
0x71: {  	[tilespmem:s9], [sflag:$0x1] =	stream.indirect_vreg.gather [hbm4b:s3+s2], $0x80, v3, vm0, $0xb8;
	[tilespmem:$0x18080] =	vst v63  }
0x72: {  	s0 =	rddreg [dreg:$0x1a]  }
0x73: {  	[tilespmem:s0], [sflag:$0x1] =	stream.indirect_vreg.gather [hbm4b:s4+s2], $0x80, v3, vm0, $0xb8;
	[tilespmem:$0x18080] =	vst v63  }
0x74: {  	s9 =	rddreg [dreg:$0x1b]  }
0x75: {  	[tilespmem:s9], [sflag:$0x1] =	stream.indirect_vreg.gather [hbm4b:s5+s2], $0x80, v3, vm0, $0xb8;
	[tilespmem:$0x18080] =	vst v63  }
0x76: {  	v3 =	vld [tilespmem:$0x40];
	_ =	sdelay $0x4  }
0x77: {  	v60 =	vshrl.u32 v3, $0x3  }
0x78: {  	v4 =	vmul.u32 $0x30, v60  }
0x79: {  	v3 =	vand.u32 $0x7, v3  }
0x7a: {  	v3 =	vor.u32 v3, v4  }
0x7b: {  	v4 =	vperm.xlane v3, v0;
	_ =	sdelay $0x1  }
0x7c: {  	v4 =	vadd.s32 v1, v4;
	_ =	sdelay $0x3  }
0x7d: {  	s0 =	rddreg [dreg:$0x1c];
	v3 =	vperm.xlane v3, v2  }
0x7e: {  	[tilespmem:s0], [sflag:$0x1] =	stream.indirect_vreg.gather [hbm4b:s3+s2], $0x80, v4, vm0, $0xb8;
	[tilespmem:$0x18080] =	vst v63  }
0x7f: {  	s9 =	rddreg [dreg:$0x1d];
	v3 =	vadd.s32 v1, v3  }
0x80: {  	[tilespmem:s9], [sflag:$0x1] =	stream.indirect_vreg.gather [hbm4b:s4+s2], $0x80, v4, vm0, $0xb8;
	[tilespmem:$0x18080] =	vst v63  }
0x81: {  	s9 =	simm.s32 $0xD080  }
0x82: {  	[tilespmem:s9], [sflag:$0x1] =	stream.indirect_vreg.gather [hbm4b:s5+s2], $0x80, v4, vm0, $0xb8;
	[tilespmem:$0x18080] =	vst v63  }
0x83: {  	_ = 	snop  }
0x84: {  	[tilespmem:s10], [sflag:$0x1] =	stream.indirect_vreg.gather [hbm4b:s3+s2], $0x80, v3, vm0, $0xb8;
	[tilespmem:$0x18080] =	vst v63  }
0x85: {  	_ = 	snop  }
0x86: {  	[tilespmem:s11], [sflag:$0x1] =	stream.indirect_vreg.gather [hbm4b:s4+s2], $0x80, v3, vm0, $0xb8;
	[tilespmem:$0x18080] =	vst v63  }
0x87: {  	_ = 	snop  }
0x88: {  	[tilespmem:s12], [sflag:$0x1] =	stream.indirect_vreg.gather [hbm4b:s5+s2], $0x80, v3, vm0, $0xb8;
	[tilespmem:$0x18080] =	vst v63  }
0x89: {  	v3 =	vld [tilespmem:$0x50];
	_ =	sdelay $0x4  }
0x8a: {  	v61 =	vshrl.u32 v3, $0x3  }
0x8b: {  	v4 =	vmul.u32 $0x30, v61  }
0x8c: {  	v3 =	vand.u32 $0x7, v3  }
0x8d: {  	v3 =	vor.u32 v3, v4  }
0x8e: {  	v4 =	vperm.xlane v3, v0;
	_ =	sdelay $0x1  }
0x8f: {  	v4 =	vadd.s32 v1, v4;
	_ =	sdelay $0x3  }
0x90: {  	v3 =	vperm.xlane v3, v2  }
0x91: {  	[tilespmem:s13], [sflag:$0x1] =	stream.indirect_vreg.gather [hbm4b:s3+s2], $0x80, v4, vm0, $0xb8;
	[tilespmem:$0x18080] =	vst v63  }
0x92: {  	v3 =	vadd.s32 v1, v3  }
0x93: {  	[tilespmem:s14], [sflag:$0x1] =	stream.indirect_vreg.gather [hbm4b:s4+s2], $0x80, v4, vm0, $0xb8;
	[tilespmem:$0x18080] =	vst v63  }
0x94: {  	_ = 	snop  }
0x95: {  	[tilespmem:s15], [sflag:$0x1] =	stream.indirect_vreg.gather [hbm4b:s5+s2], $0x80, v4, vm0, $0xb8;
	[tilespmem:$0x18080] =	vst v63  }
0x96: {  	_ = 	snop  }
0x97: {  	[tilespmem:s16], [sflag:$0x1] =	stream.indirect_vreg.gather [hbm4b:s3+s2], $0x80, v3, vm0, $0xb8;
	[tilespmem:$0x18080] =	vst v63  }
0x98: {  	_ = 	snop  }
0x99: {  	[tilespmem:s17], [sflag:$0x1] =	stream.indirect_vreg.gather [hbm4b:s4+s2], $0x80, v3, vm0, $0xb8;
	[tilespmem:$0x18080] =	vst v63  }
0x9a: {  	_ = 	snop  }
0x9b: {  	[tilespmem:s18], [sflag:$0x1] =	stream.indirect_vreg.gather [hbm4b:s5+s2], $0x80, v3, vm0, $0xb8;
	[tilespmem:$0x18080] =	vst v63  }
0x9c: {  	v3 =	vld [tilespmem:$0x60];
	_ =	sdelay $0x4  }
0x9d: {  	v62 =	vshrl.u32 v3, $0x3  }
0x9e: {  	v4 =	vmul.u32 $0x30, v62  }
0x9f: {  	v3 =	vand.u32 $0x7, v3  }
0xa0: {  	v3 =	vor.u32 v3, v4  }
0xa1: {  	v4 =	vperm.xlane v3, v0;
	_ =	sdelay $0x1  }
0xa2: {  	v4 =	vadd.s32 v1, v4;
	_ =	sdelay $0x3  }
0xa3: {  	v3 =	vperm.xlane v3, v2  }
0xa4: {  	[tilespmem:s19], [sflag:$0x1] =	stream.indirect_vreg.gather [hbm4b:s3+s2], $0x80, v4, vm0, $0xb8;
	[tilespmem:$0x18080] =	vst v63  }
0xa5: {  	v3 =	vadd.s32 v1, v3  }
0xa6: {  	[tilespmem:s20], [sflag:$0x1] =	stream.indirect_vreg.gather [hbm4b:s4+s2], $0x80, v4, vm0, $0xb8;
	[tilespmem:$0x18080] =	vst v63  }
0xa7: {  	_ = 	snop  }
0xa8: {  	[tilespmem:s21], [sflag:$0x1] =	stream.indirect_vreg.gather [hbm4b:s5+s2], $0x80, v4, vm0, $0xb8;
	[tilespmem:$0x18080] =	vst v63  }
0xa9: {  	_ = 	snop  }
0xaa: {  	[tilespmem:s22], [sflag:$0x1] =	stream.indirect_vreg.gather [hbm4b:s3+s2], $0x80, v3, vm0, $0xb8;
	[tilespmem:$0x18080] =	vst v63  }
0xab: {  	_ = 	snop  }
0xac: {  	[tilespmem:s23], [sflag:$0x1] =	stream.indirect_vreg.gather [hbm4b:s4+s2], $0x80, v3, vm0, $0xb8;
	[tilespmem:$0x18080] =	vst v63  }
0xad: {  	_ = 	snop  }
0xae: {  	[tilespmem:s24], [sflag:$0x1] =	stream.indirect_vreg.gather [hbm4b:s5+s2], $0x80, v3, vm0, $0xb8;
	[tilespmem:$0x18080] =	vst v63  }
0xaf: {  	v3 =	vld [tilespmem:$0x70];
	_ =	sdelay $0x4  }
0xb0: {  	v63 =	vshrl.u32 v3, $0x3  }
0xb1: {  	v4 =	vmul.u32 $0x30, v63  }
0xb2: {  	v3 =	vand.u32 $0x7, v3  }
0xb3: {  	v3 =	vor.u32 v3, v4  }
0xb4: {  	v4 =	vperm.xlane v3, v0;
	_ =	sdelay $0x1  }
0xb5: {  	v4 =	vadd.s32 v1, v4;
	_ =	sdelay $0x3  }
0xb6: {  	v3 =	vperm.xlane v3, v2  }
0xb7: {  	[tilespmem:s25], [sflag:$0x1] =	stream.indirect_vreg.gather [hbm4b:s3+s2], $0x80, v4, vm0, $0xb8;
	[tilespmem:$0x18080] =	vst v63  }
0xb8: {  	v3 =	vadd.s32 v1, v3  }
0xb9: {  	[tilespmem:s26], [sflag:$0x1] =	stream.indirect_vreg.gather [hbm4b:s4+s2], $0x80, v4, vm0, $0xb8;
	[tilespmem:$0x18080] =	vst v63  }
0xba: {  	_ = 	snop  }
0xbb: {  	[tilespmem:s28], [sflag:$0x1] =	stream.indirect_vreg.gather [hbm4b:s5+s2], $0x80, v4, vm0, $0xb8;
	[tilespmem:$0x18080] =	vst v63  }
0xbc: {  	_ = 	snop  }
0xbd: {  	[tilespmem:s29], [sflag:$0x1] =	stream.indirect_vreg.gather [hbm4b:s3+s2], $0x80, v3, vm0, $0xb8;
	[tilespmem:$0x18080] =	vst v63  }
0xbe: {  	_ = 	snop  }
0xbf: {  	[tilespmem:s30], [sflag:$0x1] =	stream.indirect_vreg.gather [hbm4b:s4+s2], $0x80, v3, vm0, $0xb8;
	[tilespmem:$0x18080] =	vst v63  }
0xc0: {  	_ = 	snop  }
0xc1: {  	[tilespmem:s31], [sflag:$0x1] =	stream.indirect_vreg.gather [hbm4b:s5+s2], $0x80, v3, vm0, $0xb8;
	[tilespmem:$0x18080] =	vst v63  }
0xc2: {  	_ =	swait.ge [sflag:s1], $0x18000  }
0xc3: {  	p0 =	sne.s32 s6, $0x1;
	[sflag:s1] =	ssyncset.done $0x0  }
.Ltmp0:
0xc4: {  	s9 =	rddreg [dreg:$0x4];
	[sflag:s1] =	ssyncadd.s32 $0xFFFE8000;
	(pc) =	sbr.rel @p0 .LBB2_1-.Ltmp0, $4  }
0xc5: {  	[hbm4b:s9+s2] =	stream.linear.scatter [tilespmem:s8], [sflag:$0x2], $0x18000, $0x38;
	[tilespmem:$0x18080] =	vst v63  }
0xc6: {  	_ =	swait.ge [sflag:s7], $0x18000  }
0xc7: {  	[sflag:s7] =	ssyncset.done $0x0  }
0xc8: {  	s6 =	sadd.s32 $0xFFFFFFFF, s6;
	[sflag:s7] =	ssyncadd.s32 $0xFFFE8000  }
0xc9: {  	_ =	sfence.sel $0x180000  }
0xca: {  	[bflag:$0x0] =	sbarrier.arrive $0xFFFF  }
0xcb: {  	_ =	strace $0x9000004A  }
0xcc: {  	s0 =	stileid.u32;
	[bflag:$0x2] =	sbarrier.arrive $0xFFFF  }
0xcd: {  	p0 =	sne.s32 s0, $0x0;
	s0 =	rddreg [dreg:$0x2]  }
0xce: {  	s0 =	sadd.s32 @!p0 $0x100000, s0  }
0xcf: {  	[sflag:s0] =	ssyncadd.tile.s32 @!p0 $0x1;
	_ =	shalt  }
.Lfunc_end2:
_tile_overlayer_lowered:
.L_overlay_start_2:
0xd0: {  	(tag) =	ssettag $0x2  }
0xd1: {  	s0 =	rddreg [dreg:$0x0];
	s2 =	stileid.u32  }
0xd2: {  	s1 =	rddreg [dreg:$0x1];
	p0 =	sne.s32 s2, $0x0  }
0xd3: {  	s3 =	rddreg [dreg:$0x2];
	[bflag:$0x3] =	sbarrier.arrive $0xFFFF;
	s2 =	simm.s32 @!p0 $0x1C02  }
0xd4: {  	[timem:s3], [sflag:s2] =	dma.local @!p0 [hbm:s0], s1  }
0xd5: {  	s0 =	simm.s32 @!p0 $0x2  }
0xd6: {  	_ =	swait.ge @!p0 [sflag:s0], s1  }
0xd7: {  	s1 =	ssub.s32 @!p0 $0x0, s1;
	[sflag:s0] =	ssyncset.done @!p0 $0x0  }
0xd8: {  	[sflag:s0] =	ssyncadd.s32 @!p0 s1  }
0xd9: {  	[bflag:$0x3] =	sbarrier.arrive $0xFFFF  }
0xda: {  	_ =	shalt  }

// kernel: kernel.7.cloned.1.call-start
scs
__scs_entry_jumppad:
0x0: {  	(pc) =	sbr.rel $0x88, $3  }
0x1: {  	(tag) =	ssettag $0x0;
	lr =	simm.s32 $0x1  }
0x2: {  	[smem:$0x3F9A] =	sst lr;
	_ =	strace $0xD0000000  }
0x3: {  	_ = 	snop  }
0x4: {  	_ = 	snop  }
0x5: {  	_ = 	snop  }
0x6: {  	_ = 	snop  }
0x7: {  	_ = 	snop  }
__scs_overlays_trampoline_lowered:
0x8: {  	[smem:$0x3FA9] =	sst s0  }
0x9: {  	[smem:$0x3FAA] =	sst s1  }
0xa: {  	[smem:$0x3FAB] =	sst s2  }
0xb: {  	[smem:$0x3FAC] =	sst s3  }
0xc: {  	[smem:$0x3FAD] =	sst s4  }
0xd: {  	[smem:$0x3FAE] =	sst s5  }
0xe: {  	[smem:$0x3FAF] =	sst s6  }
0xf: {  	[smem:$0x3FB0] =	sst s7  }
0x10: {  	[smem:$0x3FB1] =	sst s8  }
0x11: {  	[smem:$0x3FB2] =	sst s9;
	s0 =	simm.s32 @!p0 $0x0  }
0x12: {  	s1 =	sld [smem:$0x3F98];
	s0 =	simm.s32 @p0 $0x1  }
0x13: {  	[smem:$0x3FB3] =	sst s0;
	s0 =	simm.s32 @!p1 $0x0  }
0x14: {  	s2 =	sld [smem:$0x3F97];
	s0 =	simm.s32 @p1 $0x1  }
0x15: {  	[smem:$0x3FB4] =	sst s0;
	s0 =	simm.s32 @!p2 $0x0  }
0x16: {  	s3 =	sld [smem:$0x3FDB];
	s0 =	simm.s32 @p2 $0x1  }
0x17: {  	s4 =	simm.s32 $0x1BF5;
	[smem:$0x3FB6] =	sst s0  }
0x18: {  	s0 =	sld [smem:$0x3F99];
	_ =	swait.ge [sflag:s4], $0x0  }
0x19: {  	s7 =	sld [smem:$0x3F9A]  }
0x1a: {  	s8 =	sadd.s32 $0xFFFFE003, lr  }
0x1b: {  	s9 =	sadd.s32 $0xFFFFFEF7, lr;
	s5 =	simm.s32 $0xFFFFFFFF;
	p2 =	slt.u32 s8, $0xFFFFF086  }
0x1c: {  	p1 =	slt.u32 s9, $0xF7A;
	s5 =	simm.s32 @!p2 $0x0  }
0x1d: {  	s5 =	simm.s32 @p1 $0x1;
	p0 =	seq.s32 s7, s2  }
0x1e: {  	s7 =	smul.u32 @!p0 $0xF7A, s2;
	p2 =	seq.s32 @!p0 s5, $0x0  }
0x1f: {  	s9 =	smul.u32 $0xF7A, s1;
	s8 =	simm.s32 @!p0 $0x1BF5;
	p2 =	por !p2, p0  }
0x20: {  	[sflag:s8] =	ssyncset.s32 @!p0 $0xFFFFF086;
	s6 =	sadd.s32 @!p0 s3, s7;
	s7 =	simm.s32 @!p0 $0x108  }
0x21: {  	s3 =	sadd.s32 s3, s9;
	s6 =	sadd.s32 @!p0 $0x88, s6;
	s7 =	simm.s32 @p2 $0x1082  }
0x22: {  	[simem:s7], [sflag:s8] =	dma.local @!p0 [hbm:s6], $0xF7A  }
0x23: {  	s9 =	sor.u32 $0xD0000000, s2;
	s6 =	simm.s32 $0x108;
	_ =	swait.ge @!p0 [sflag:s8], $0x0  }
0x24: {  	s3 =	sadd.s32 $0x88, s3;
	s6 =	simm.s32 @!p1 $0x1082;
	[sflag:s4] =	ssyncset.s32 $0xFFFFF086  }
0x25: {  	[simem:s6], [sflag:s4] =	dma.local [hbm:s3], $0xF7A  }
0x26: {  	[smem:$0x3F9A] =	sst s1;
	(tag) =	ssettag s2;
	_ =	strace s9  }
0x27: {  	s1 =	sld [smem:$0x3FAA]  }
0x28: {  	s2 =	sld [smem:$0x3FAB]  }
0x29: {  	s4 =	sld [smem:$0x3FAD]  }
0x2a: {  	p0 =	seq.s32 s5, $0x0;
	s5 =	sld [smem:$0x3FAE]  }
0x2b: {  	s6 =	sld [smem:$0x3FAF]  }
0x2c: {  	s7 =	sld [smem:$0x3FB0]  }
0x2d: {  	s3 =	simm.s32 $0x108;
	s8 =	sld [smem:$0x3FB1]  }
0x2e: {  	s3 =	simm.s32 @!p0 $0x1082;
	s9 =	sld [smem:$0x3FB2]  }
0x2f: {  	lr =	sadd.s32 s0, s3;
	s0 =	sld [smem:$0x3FA9]  }
0x30: {  	s3 =	sld [smem:$0x3FAC]  }
0x31: {  	[smem:$0x3FB5] =	sst s10  }
0x32: {  	s10 =	sld [smem:$0x3FB3];
	_ =	sdelay $0x3  }
0x33: {  	p0 =	seq.s32 s10, $0x1;
	s10 =	sld [smem:$0x3FB5];
	_ =	sdelay $0x3  }
0x34: {  	[smem:$0x3FB5] =	sst s10  }
0x35: {  	s10 =	sld [smem:$0x3FB4];
	_ =	sdelay $0x3  }
0x36: {  	p1 =	seq.s32 s10, $0x1;
	s10 =	sld [smem:$0x3FB5];
	_ =	sdelay $0x3  }
0x37: {  	[smem:$0x3FB5] =	sst s10  }
0x38: {  	s10 =	sld [smem:$0x3FB6]  }
0x39: {  	_ = 	snop;
	(pc) =	sbr.ind lr, $3  }
0x3a: {  	_ = 	snop  }
0x3b: {  	_ = 	snop  }
0x3c: {  	p2 =	seq.s32 s10, $0x1;
	s10 =	sld [smem:$0x3FB5]  }
0x3d: {  	_ =	shalt  }
0x3e: {  	_ =	shalt  }
0x3f: {  	_ =	shalt  }
0x40: {  	_ =	shalt  }
0x41: {  	_ =	shalt  }
0x42: {  	_ =	shalt  }
0x43: {  	_ =	shalt  }
0x44: {  	_ =	shalt  }
0x45: {  	_ =	shalt  }
0x46: {  	_ =	shalt  }
0x47: {  	_ =	shalt  }
0x48: {  	_ =	shalt  }
0x49: {  	_ =	shalt  }
0x4a: {  	_ =	shalt  }
0x4b: {  	_ =	shalt  }
0x4c: {  	_ =	shalt  }
0x4d: {  	_ =	shalt  }
0x4e: {  	_ =	shalt  }
0x4f: {  	_ =	shalt  }
0x50: {  	_ =	shalt  }
0x51: {  	_ =	shalt  }
0x52: {  	_ =	shalt  }
0x53: {  	_ =	shalt  }
0x54: {  	_ =	shalt  }
0x55: {  	_ =	shalt  }
0x56: {  	_ =	shalt  }
0x57: {  	_ =	shalt  }
0x58: {  	_ =	shalt  }
0x59: {  	_ =	shalt  }
0x5a: {  	_ =	shalt  }
0x5b: {  	_ =	shalt  }
0x5c: {  	_ =	shalt  }
0x5d: {  	_ =	shalt  }
0x5e: {  	_ =	shalt  }
0x5f: {  	_ =	shalt  }
0x60: {  	_ =	shalt  }
0x61: {  	_ =	shalt  }
0x62: {  	_ =	shalt  }
0x63: {  	_ =	shalt  }
0x64: {  	_ =	shalt  }
0x65: {  	_ =	shalt  }
0x66: {  	_ =	shalt  }
0x67: {  	_ =	shalt  }
0x68: {  	_ =	shalt  }
0x69: {  	_ =	shalt  }
0x6a: {  	_ =	shalt  }
0x6b: {  	_ =	shalt  }
0x6c: {  	_ =	shalt  }
0x6d: {  	_ =	shalt  }
0x6e: {  	_ =	shalt  }
0x6f: {  	_ =	shalt  }
0x70: {  	_ =	shalt  }
0x71: {  	_ =	shalt  }
0x72: {  	_ =	shalt  }
0x73: {  	_ =	shalt  }
0x74: {  	_ =	shalt  }
0x75: {  	_ =	shalt  }
0x76: {  	_ =	shalt  }
0x77: {  	_ =	shalt  }
0x78: {  	_ =	shalt  }
0x79: {  	_ =	shalt  }
0x7a: {  	_ =	shalt  }
0x7b: {  	_ =	shalt  }
0x7c: {  	_ =	shalt  }
0x7d: {  	_ =	shalt  }
0x7e: {  	_ =	shalt  }
0x7f: {  	_ =	shalt  }
0x80: {  	_ =	shalt  }
0x81: {  	_ =	shalt  }
0x82: {  	_ =	shalt  }
0x83: {  	_ =	shalt  }
0x84: {  	_ =	shalt  }
0x85: {  	_ =	shalt  }
0x86: {  	_ =	shalt  }
0x87: {  	_ =	shalt  }
.Lfunc_end0:
.L_simem_size_0:
called_computation_lowered:
.L_overlay_start_0:
0x88: {  	s2 =	sld [smem:$0x3FD9]  }
0x89: {  	s3 =	sld [smem:$0x3FFE];
	_ =	sdelay $0x1  }
0x8a: {  	s1 =	srdreg.scid  }
0x8b: {  	s0 =	sand.u32 $0x1, s1  }
0x8c: {  	s17 =	sshll.u32 s0, $0xA;
	s2 =	sadd.s32 s3, s2  }
0x8d: {  	s2 =	sadd.s32 s2, s17  }
0x8e: {  	[smem:$0x3FC1] =	sst s2  }
0x8f: {  	_ = 	snop  }
0x90: {  	s2 =	sld [smem:$0x3FD0];
	(tm) =	ssettm $0x1  }
0x91: {  	s18 =	sld [smem:$0x3FFB];
	_ =	sdelay $0x3  }
0x92: {  	_ =	strace s18  }
0x93: {  	s3 =	sld [smem:$0x3FFC];
	_ =	sdelay $0x3  }
0x94: {  	_ =	strace s3  }
0x95: {  	s3 =	sld [smem:$0x3FFD];
	_ =	sdelay $0x3  }
0x96: {  	_ =	strace s3  }
0x97: {  	_ =	strace $0x8FFFFFFF  }
0x98: {  	s19 =	sld [smem:$0x3FDB];
	_ =	sdelay $0x1  }
0x99: {  	s4 =	simm.s32 $_scs_section_size  }
0x9a: {  	s5 =	simm.s32 $_size__tile_overlayer_lowered;
	s6 =	simm.s32 $_tile_overlayer_lowered  }
0x9b: {  	s22 =	simm.s32 $0x1BFF;
	s21 =	sshll.u32 s6, $0x1;
	s3 =	sadd.s32 s4, s19  }
0x9c: {  	s7 =	simm.s32 $0x0;
	s20 =	sshll.u32 s5, $0x1;
	s5 =	sadd.s32 s21, s3  }
0x9d: {  	[timem:s7], [sflag:s22] =	dma.local [hbm:s5], s20  }
0x9e: {  	_ =	swait.ge [sflag:s22], s20  }
0x9f: {  	s4 =	ssub.s32 $0x0, s20;
	[sflag:s22] =	ssyncset.done $0x0  }
0xa0: {  	[sflag:s22] =	ssyncadd.s32 s4;
	_ =	sdelay $0x1  }
0xa1: {  	s23 =	simm.s32 $0x1B8B  }
0xa2: {  	_ =	swait.ge [sflag:s23], $0x1  }
0xa3: {  	[sflag:s23] =	ssyncset.done $0x0  }
0xa4: {  	s25 =	simm.s32 $0x1B8E;
	s24 =	sld [smem:$0x3FFE];
	[sflag:s23] =	ssyncadd.s32 $0xFFFFFFFF  }
0xa5: {  	s26 =	simm.s32 $execute0_lowered;
	[smem:$0x3FD2] =	sst s25  }
0xa6: {  	s5 =	sshll.u32 s26, $0x1;
	_ =	strace $0x80000046;
	[dreg:$0x1] =	wrdreg $0xFFFFFFFF  }
0xa7: {  	s28 =	simm.s32 $_size_execute0_lowered;
	s3 =	sadd.s32 s3, s5;
	[dreg:$0x0] =	wrdreg $0x0  }
0xa8: {  	s5 =	sshll.u32 s28, $0x1;
	[dreg:$0x2] =	wrdreg s3  }
0xa9: {  	[dreg:$0x3] =	wrdreg s5  }
0xaa: {  	[dreg:$0x4] =	wrdreg $0xC0  }
0xab: {  	_ =	task [dreg:s7], $0x5FFFF  }
0xac: {  	[dreg:$0x1] =	wrdreg $0xFFFFFFFF  }
0xad: {  	[dreg:$0x0] =	wrdreg $0x60  }
0xae: {  	[dreg:$0x2] =	wrdreg s24  }
0xaf: {  	[dreg:$0x3] =	wrdreg s2  }
0xb0: {  	[dreg:$0x4] =	wrdreg $0x9  }
0xb1: {  	_ =	task.clear_ibuf [dreg:s7], $0x5FFFF;
	_ =	strace $0x90000046  }
0xb2: {  	s29 =	simm.s32 $0x9;
	_ =	strace $0x80000048  }
0xb3: {  	_ =	swait.ge [sflag:s29], $0x1  }
0xb4: {  	[sflag:s29] =	ssyncadd.s32 $0xFFFFFFFF  }
0xb5: {  	_ =	strace $0x90000048  }
0xb6: {  	_ =	sfence  }
0xb7: {  	s30 =	sld [smem:$0x0];
	_ =	sdelay $0x2  }
0xb8: {  	s31 =	sshll.u32 s1, $0xD;
	s1 =	sshrl.u32 s1, $0x2  }
0xb9: {  	s3 =	sand.u32 $0x4000, s31;
	s1 =	sadd.s32 s1, s30  }
0xba: {  	s0 =	sor.u32 s3, s0;
	s1 =	sshll.u32 s1, $0x11  }
0xbb: {  	s0 =	sor.u32 s1, s0  }
0xbc: {  	s0 =	sadd.s32 $0x8F2B, s0  }
0xbd: {  	[sflag:s0] =	ssyncadd.remote.s32 $0x1  }
0xbe: {  	_ =	sfence.sel $0xFFFF  }
0xbf: {  	[dreg:$0x0] =	wrdreg $0xFFFFFFFF;
	(pc) =	sbr.abs _section_cstart, $3  }
0xc0: {  	[dreg:$0x1] =	wrdreg $0xFFFFFFFF  }
0xc1: {  	_ =	task.clear_ibuf [dreg:s7], $0x2FFFF;
	_ =	strace $0x9FFFFFFF  }
0xc2: {  	(tm) =	ssettm $0x7FFFFFFF  }
0xc3: {  	_ =	shalt  }
tec
execute0_lowered:
.L_overlay_start_1:
0x0: {  	(tag) =	ssettag $0x1  }
0x1: {  	s0 =	srdreg.scid;
	s1 =	rddreg [dreg:$0x0]  }
0x2: {  	s2 =	stileid.u32;
	s4 =	rddreg [dreg:$0x1];
	s10 =	simm.s32 $0x880  }
0x3: {  	s11 =	simm.s32 $0x1080;
	s12 =	simm.s32 $0x1880;
	s13 =	simm.s32 $0x2080  }
0x4: {  	s14 =	simm.s32 $0x2880;
	s15 =	simm.s32 $0x3080;
	s16 =	simm.s32 $0x3880  }
0x5: {  	s17 =	simm.s32 $0x4080;
	s18 =	simm.s32 $0x4880;
	s19 =	simm.s32 $0x5080  }
0x6: {  	s20 =	simm.s32 $0x5880;
	s21 =	simm.s32 $0x6080;
	s22 =	simm.s32 $0x6880  }
0x7: {  	s23 =	simm.s32 $0x7080;
	s28 =	simm.s32 $0x9080;
	s29 =	simm.s32 $0x9880  }
0x8: {  	s30 =	simm.s32 $0xA080;
	s31 =	simm.s32 $0xA880;
	s0 =	sand.u32 $0x1, s0  }
0x9: {  	s3 =	sshll.u32 s2, $0x6;
	s2 =	simm.s32 $0x0;
	s7 =	sadd.s32 $0x800, s1  }
0xa: {  	s5 =	sshll.u32 s0, $0x5;
	[smem:$0x7FF] =	sst s2;
	s0 =	ssub.s32 $0x2, s0  }
0xb: {  	s5 =	sor.u32 s5, s3;
	_ =	strace $0x80000047;
	s3 =	sadd.s32 $0xC0800, s1  }
0xc: {  	s24 =	sshrl.u32 s0, $0x1;
	s6 =	smul.u32 $0x300, s5;
	s8 =	sor.u32 $0x10, s5  }
0xd: {  	s5 =	sadd.s32 s4, s5;
	s0 =	ssub.s32 s0, s24;
	s24 =	simm.s32 $0x7880  }
0xe: {  	s9 =	smul.u32 $0x300, s8;
	[dreg:$0x4] =	wrdreg s5;
	s26 =	sadd.s32 s4, s8  }
0xf: {  	s4 =	sadd.s32 $0xC0900, s1;
	s5 =	sadd.s32 $0xC0A00, s1;
	s8 =	simm.s32 $0x2  }
0x10: {  	v2 =	vlaneseq.u32;
	s1 =	simm.s32 $0x1;
	s6 =	sadd.s32 s7, s6;
	[dreg:$0x6] =	wrdreg s26  }
0x11: {  	vm0 =	vmmov $0xffff;
	v1 =	vshrl.u32 v2, $0x3;
	s26 =	simm.s32 $0x8880;
	[dreg:$0x3] =	wrdreg s6;
	s25 =	sadd.s32 s7, s9  }
0x12: {  	v0 =	vand.u32 $0x7, v2;
	v2 =	vor.u32 $0x8, v2;
	v1 =	vmul.u32 $0x8, v1;
	s6 =	smax.u32 s0, $0x1;
	[dreg:$0x5] =	wrdreg s25;
	s25 =	simm.s32 $0x8080  }
.LBB2_1:
0x13: {  	s9 =	rddreg [dreg:$0x3];
	s0 =	simm.s32 $0x80  }
0x14: {  	[tilespmem:s0], [sflag:$0x2] =	stream.linear.gather [hbm4b:s9+s2], $0x18000, $0x38;
	[tilespmem:$0x18080] =	vst v63  }
0x15: {  	_ =	swait.ge [sflag:s8], $0x18000  }
0x16: {  	[sflag:s8] =	ssyncset.done $0x0  }
0x17: {  	s7 =	rddreg [dreg:$0x4];
	[sflag:s8] =	ssyncadd.s32 $0xFFFE8000  }
0x18: {  	[tilespmem:s2], [sflag:$0x2] =	stream.linear.gather [hbm4b:s7+s2], $0x80, $0x38;
	[tilespmem:$0x18080] =	vst v63  }
0x19: {  	_ =	swait.ge [sflag:s8], $0x80  }
0x1a: {  	[sflag:s8] =	ssyncset.done $0x0  }
0x1b: {  	[sflag:s8] =	ssyncadd.s32 $0xFFFFFF80  }
0x1c: {  	v3 =	vld [tilespmem:$0x0];
	_ =	sdelay $0x4  }
0x1d: {  	v4 =	vshrl.u32 v3, $0x3  }
0x1e: {  	v4 =	vmul.u32 $0x30, v4  }
0x1f: {  	v3 =	vand.u32 $0x7, v3  }
0x20: {  	v3 =	vor.u32 v3, v4  }
0x21: {  	v4 =	vperm.xlane v3, v0;
	_ =	sdelay $0x1  }
0x22: {  	v4 =	vadd.s32 v1, v4;
	_ =	sdelay $0x3  }
0x23: {  	v3 =	vperm.xlane v3, v2  }
0x24: {  	[hbm4b:s3+s2] =	stream.indirect_vreg.scatter [tilespmem:s0], [sflag:$0x1], $0x80, v4, vm0, $0xb8;
	[tilespmem:$0x18080] =	vst v63  }
0x25: {  	v3 =	vadd.s32 v1, v3  }
0x26: {  	[hbm4b:s4+s2] =	stream.indirect_vreg.scatter [tilespmem:s10], [sflag:$0x1], $0x80, v4, vm0, $0xb8;
	[tilespmem:$0x18080] =	vst v63  }
0x27: {  	_ = 	snop  }
0x28: {  	[hbm4b:s5+s2] =	stream.indirect_vreg.scatter [tilespmem:s11], [sflag:$0x1], $0x80, v4, vm0, $0xb8;
	[tilespmem:$0x18080] =	vst v63  }
0x29: {  	_ = 	snop  }
0x2a: {  	[hbm4b:s3+s2] =	stream.indirect_vreg.scatter [tilespmem:s12], [sflag:$0x1], $0x80, v3, vm0, $0xb8;
	[tilespmem:$0x18080] =	vst v63  }
0x2b: {  	_ = 	snop  }
0x2c: {  	[hbm4b:s4+s2] =	stream.indirect_vreg.scatter [tilespmem:s13], [sflag:$0x1], $0x80, v3, vm0, $0xb8;
	[tilespmem:$0x18080] =	vst v63  }
0x2d: {  	_ = 	snop  }
0x2e: {  	[hbm4b:s5+s2] =	stream.indirect_vreg.scatter [tilespmem:s14], [sflag:$0x1], $0x80, v3, vm0, $0xb8;
	[tilespmem:$0x18080] =	vst v63  }
0x2f: {  	v3 =	vld [tilespmem:$0x10];
	_ =	sdelay $0x4  }
0x30: {  	v49 =	vshrl.u32 v3, $0x3  }
0x31: {  	v4 =	vmul.u32 $0x30, v49  }
0x32: {  	v3 =	vand.u32 $0x7, v3  }
0x33: {  	v3 =	vor.u32 v3, v4  }
0x34: {  	v4 =	vperm.xlane v3, v0;
	_ =	sdelay $0x1  }
0x35: {  	v4 =	vadd.s32 v1, v4;
	_ =	sdelay $0x3  }
0x36: {  	v3 =	vperm.xlane v3, v2  }
0x37: {  	[hbm4b:s3+s2] =	stream.indirect_vreg.scatter [tilespmem:s15], [sflag:$0x1], $0x80, v4, vm0, $0xb8;
	[tilespmem:$0x18080] =	vst v63  }
0x38: {  	v3 =	vadd.s32 v1, v3  }
0x39: {  	[hbm4b:s4+s2] =	stream.indirect_vreg.scatter [tilespmem:s16], [sflag:$0x1], $0x80, v4, vm0, $0xb8;
	[tilespmem:$0x18080] =	vst v63  }
0x3a: {  	_ = 	snop  }
0x3b: {  	[hbm4b:s5+s2] =	stream.indirect_vreg.scatter [tilespmem:s17], [sflag:$0x1], $0x80, v4, vm0, $0xb8;
	[tilespmem:$0x18080] =	vst v63  }
0x3c: {  	_ = 	snop  }
0x3d: {  	[hbm4b:s3+s2] =	stream.indirect_vreg.scatter [tilespmem:s18], [sflag:$0x1], $0x80, v3, vm0, $0xb8;
	[tilespmem:$0x18080] =	vst v63  }
0x3e: {  	_ = 	snop  }
0x3f: {  	[hbm4b:s4+s2] =	stream.indirect_vreg.scatter [tilespmem:s19], [sflag:$0x1], $0x80, v3, vm0, $0xb8;
	[tilespmem:$0x18080] =	vst v63  }
0x40: {  	_ = 	snop  }
0x41: {  	[hbm4b:s5+s2] =	stream.indirect_vreg.scatter [tilespmem:s20], [sflag:$0x1], $0x80, v3, vm0, $0xb8;
	[tilespmem:$0x18080] =	vst v63  }
0x42: {  	v3 =	vld [tilespmem:$0x20];
	_ =	sdelay $0x4  }
0x43: {  	v50 =	vshrl.u32 v3, $0x3  }
0x44: {  	v4 =	vmul.u32 $0x30, v50  }
0x45: {  	v3 =	vand.u32 $0x7, v3  }
0x46: {  	v3 =	vor.u32 v3, v4  }
0x47: {  	v4 =	vperm.xlane v3, v0;
	_ =	sdelay $0x1  }
0x48: {  	v4 =	vadd.s32 v1, v4;
	_ =	sdelay $0x3  }
0x49: {  	v3 =	vperm.xlane v3, v2  }
0x4a: {  	[hbm4b:s3+s2] =	stream.indirect_vreg.scatter [tilespmem:s21], [sflag:$0x1], $0x80, v4, vm0, $0xb8;
	[tilespmem:$0x18080] =	vst v63  }
0x4b: {  	v3 =	vadd.s32 v1, v3  }
0x4c: {  	[hbm4b:s4+s2] =	stream.indirect_vreg.scatter [tilespmem:s22], [sflag:$0x1], $0x80, v4, vm0, $0xb8;
	[tilespmem:$0x18080] =	vst v63  }
0x4d: {  	_ = 	snop  }
0x4e: {  	[hbm4b:s5+s2] =	stream.indirect_vreg.scatter [tilespmem:s23], [sflag:$0x1], $0x80, v4, vm0, $0xb8;
	[tilespmem:$0x18080] =	vst v63  }
0x4f: {  	_ = 	snop  }
0x50: {  	[hbm4b:s3+s2] =	stream.indirect_vreg.scatter [tilespmem:s24], [sflag:$0x1], $0x80, v3, vm0, $0xb8;
	[tilespmem:$0x18080] =	vst v63  }
0x51: {  	_ = 	snop  }
0x52: {  	[hbm4b:s4+s2] =	stream.indirect_vreg.scatter [tilespmem:s25], [sflag:$0x1], $0x80, v3, vm0, $0xb8;
	[tilespmem:$0x18080] =	vst v63  }
0x53: {  	_ = 	snop  }
0x54: {  	[hbm4b:s5+s2] =	stream.indirect_vreg.scatter [tilespmem:s26], [sflag:$0x1], $0x80, v3, vm0, $0xb8;
	[tilespmem:$0x18080] =	vst v63  }
0x55: {  	v3 =	vld [tilespmem:$0x30];
	_ =	sdelay $0x4  }
0x56: {  	v51 =	vshrl.u32 v3, $0x3  }
0x57: {  	v4 =	vmul.u32 $0x30, v51  }
0x58: {  	v3 =	vand.u32 $0x7, v3  }
0x59: {  	v3 =	vor.u32 v3, v4  }
0x5a: {  	v4 =	vperm.xlane v3, v0;
	_ =	sdelay $0x1  }
0x5b: {  	v4 =	vadd.s32 v1, v4;
	_ =	sdelay $0x3  }
0x5c: {  	v3 =	vperm.xlane v3, v2  }
0x5d: {  	[hbm4b:s3+s2] =	stream.indirect_vreg.scatter [tilespmem:s28], [sflag:$0x1], $0x80, v4, vm0, $0xb8;
	[tilespmem:$0x18080] =	vst v63  }
0x5e: {  	v3 =	vadd.s32 v1, v3  }
0x5f: {  	[hbm4b:s4+s2] =	stream.indirect_vreg.scatter [tilespmem:s29], [sflag:$0x1], $0x80, v4, vm0, $0xb8;
	[tilespmem:$0x18080] =	vst v63  }
0x60: {  	_ = 	snop  }
0x61: {  	[hbm4b:s5+s2] =	stream.indirect_vreg.scatter [tilespmem:s30], [sflag:$0x1], $0x80, v4, vm0, $0xb8;
	[tilespmem:$0x18080] =	vst v63  }
0x62: {  	_ = 	snop  }
0x63: {  	[hbm4b:s3+s2] =	stream.indirect_vreg.scatter [tilespmem:s31], [sflag:$0x1], $0x80, v3, vm0, $0xb8;
	[tilespmem:$0x18080] =	vst v63  }
0x64: {  	s7 =	simm.s32 $0xB080  }
0x65: {  	[hbm4b:s4+s2] =	stream.indirect_vreg.scatter [tilespmem:s7], [sflag:$0x1], $0x80, v3, vm0, $0xb8;
	[tilespmem:$0x18080] =	vst v63  }
0x66: {  	s7 =	simm.s32 $0xB880  }
0x67: {  	[hbm4b:s5+s2] =	stream.indirect_vreg.scatter [tilespmem:s7], [sflag:$0x1], $0x80, v3, vm0, $0xb8;
	[tilespmem:$0x18080] =	vst v63  }
0x68: {  	v3 =	vld [tilespmem:$0x40];
	_ =	sdelay $0x4  }
0x69: {  	v52 =	vshrl.u32 v3, $0x3  }
0x6a: {  	v4 =	vmul.u32 $0x30, v52  }
0x6b: {  	v3 =	vand.u32 $0x7, v3  }
0x6c: {  	v3 =	vor.u32 v3, v4  }
0x6d: {  	v4 =	vperm.xlane v3, v0;
	_ =	sdelay $0x1  }
0x6e: {  	v4 =	vadd.s32 v1, v4;
	_ =	sdelay $0x3  }
0x6f: {  	s9 =	simm.s32 $0xC080;
	v3 =	vperm.xlane v3, v2  }
0x70: {  	[hbm4b:s3+s2] =	stream.indirect_vreg.scatter [tilespmem:s9], [sflag:$0x1], $0x80, v4, vm0, $0xb8;
	[tilespmem:$0x18080] =	vst v63  }
0x71: {  	v3 =	vadd.s32 v1, v3;
	s9 =	simm.s32 $0xC880  }
0x72: {  	[hbm4b:s4+s2] =	stream.indirect_vreg.scatter [tilespmem:s9], [sflag:$0x1], $0x80, v4, vm0, $0xb8;
	[tilespmem:$0x18080] =	vst v63  }
0x73: {  	s9 =	simm.s32 $0xD080  }
0x74: {  	[hbm4b:s5+s2] =	stream.indirect_vreg.scatter [tilespmem:s9], [sflag:$0x1], $0x80, v4, vm0, $0xb8;
	[tilespmem:$0x18080] =	vst v63  }
0x75: {  	s9 =	simm.s32 $0xD880  }
0x76: {  	[hbm4b:s3+s2] =	stream.indirect_vreg.scatter [tilespmem:s9], [sflag:$0x1], $0x80, v3, vm0, $0xb8;
	[tilespmem:$0x18080] =	vst v63  }
0x77: {  	s9 =	simm.s32 $0xE080  }
0x78: {  	[hbm4b:s4+s2] =	stream.indirect_vreg.scatter [tilespmem:s9], [sflag:$0x1], $0x80, v3, vm0, $0xb8;
	[tilespmem:$0x18080] =	vst v63  }
0x79: {  	s9 =	simm.s32 $0xE880  }
0x7a: {  	[hbm4b:s5+s2] =	stream.indirect_vreg.scatter [tilespmem:s9], [sflag:$0x1], $0x80, v3, vm0, $0xb8;
	[tilespmem:$0x18080] =	vst v63  }
0x7b: {  	v3 =	vld [tilespmem:$0x50];
	_ =	sdelay $0x4  }
0x7c: {  	v53 =	vshrl.u32 v3, $0x3  }
0x7d: {  	v4 =	vmul.u32 $0x30, v53  }
0x7e: {  	v3 =	vand.u32 $0x7, v3  }
0x7f: {  	v3 =	vor.u32 v3, v4  }
0x80: {  	v4 =	vperm.xlane v3, v0;
	_ =	sdelay $0x1  }
0x81: {  	v4 =	vadd.s32 v1, v4;
	_ =	sdelay $0x3  }
0x82: {  	s9 =	simm.s32 $0xF080;
	v3 =	vperm.xlane v3, v2  }
0x83: {  	[hbm4b:s3+s2] =	stream.indirect_vreg.scatter [tilespmem:s9], [sflag:$0x1], $0x80, v4, vm0, $0xb8;
	[tilespmem:$0x18080] =	vst v63  }
0x84: {  	v3 =	vadd.s32 v1, v3;
	s9 =	simm.s32 $0xF880  }
0x85: {  	[hbm4b:s4+s2] =	stream.indirect_vreg.scatter [tilespmem:s9], [sflag:$0x1], $0x80, v4, vm0, $0xb8;
	[tilespmem:$0x18080] =	vst v63  }
0x86: {  	s9 =	simm.s32 $0x10080  }
0x87: {  	[hbm4b:s5+s2] =	stream.indirect_vreg.scatter [tilespmem:s9], [sflag:$0x1], $0x80, v4, vm0, $0xb8;
	[tilespmem:$0x18080] =	vst v63  }
0x88: {  	s9 =	simm.s32 $0x10880  }
0x89: {  	[hbm4b:s3+s2] =	stream.indirect_vreg.scatter [tilespmem:s9], [sflag:$0x1], $0x80, v3, vm0, $0xb8;
	[tilespmem:$0x18080] =	vst v63  }
0x8a: {  	s9 =	simm.s32 $0x11080  }
0x8b: {  	[hbm4b:s4+s2] =	stream.indirect_vreg.scatter [tilespmem:s9], [sflag:$0x1], $0x80, v3, vm0, $0xb8;
	[tilespmem:$0x18080] =	vst v63  }
0x8c: {  	s9 =	simm.s32 $0x11880  }
0x8d: {  	[hbm4b:s5+s2] =	stream.indirect_vreg.scatter [tilespmem:s9], [sflag:$0x1], $0x80, v3, vm0, $0xb8;
	[tilespmem:$0x18080] =	vst v63  }
0x8e: {  	v3 =	vld [tilespmem:$0x60];
	_ =	sdelay $0x4  }
0x8f: {  	v54 =	vshrl.u32 v3, $0x3  }
0x90: {  	v4 =	vmul.u32 $0x30, v54  }
0x91: {  	v3 =	vand.u32 $0x7, v3  }
0x92: {  	v3 =	vor.u32 v3, v4  }
0x93: {  	v4 =	vperm.xlane v3, v0;
	_ =	sdelay $0x1  }
0x94: {  	v4 =	vadd.s32 v1, v4;
	_ =	sdelay $0x3  }
0x95: {  	s9 =	simm.s32 $0x12080;
	v3 =	vperm.xlane v3, v2  }
0x96: {  	[hbm4b:s3+s2] =	stream.indirect_vreg.scatter [tilespmem:s9], [sflag:$0x1], $0x80, v4, vm0, $0xb8;
	[tilespmem:$0x18080] =	vst v63  }
0x97: {  	v3 =	vadd.s32 v1, v3;
	s9 =	simm.s32 $0x12880  }
0x98: {  	[hbm4b:s4+s2] =	stream.indirect_vreg.scatter [tilespmem:s9], [sflag:$0x1], $0x80, v4, vm0, $0xb8;
	[tilespmem:$0x18080] =	vst v63  }
0x99: {  	s9 =	simm.s32 $0x13080  }
0x9a: {  	[hbm4b:s5+s2] =	stream.indirect_vreg.scatter [tilespmem:s9], [sflag:$0x1], $0x80, v4, vm0, $0xb8;
	[tilespmem:$0x18080] =	vst v63  }
0x9b: {  	s9 =	simm.s32 $0x13880  }
0x9c: {  	[hbm4b:s3+s2] =	stream.indirect_vreg.scatter [tilespmem:s9], [sflag:$0x1], $0x80, v3, vm0, $0xb8;
	[tilespmem:$0x18080] =	vst v63  }
0x9d: {  	s9 =	simm.s32 $0x14080  }
0x9e: {  	[hbm4b:s4+s2] =	stream.indirect_vreg.scatter [tilespmem:s9], [sflag:$0x1], $0x80, v3, vm0, $0xb8;
	[tilespmem:$0x18080] =	vst v63  }
0x9f: {  	s9 =	simm.s32 $0x14880  }
0xa0: {  	[hbm4b:s5+s2] =	stream.indirect_vreg.scatter [tilespmem:s9], [sflag:$0x1], $0x80, v3, vm0, $0xb8;
	[tilespmem:$0x18080] =	vst v63  }
0xa1: {  	v3 =	vld [tilespmem:$0x70];
	_ =	sdelay $0x4  }
0xa2: {  	v55 =	vshrl.u32 v3, $0x3  }
0xa3: {  	v4 =	vmul.u32 $0x30, v55  }
0xa4: {  	v3 =	vand.u32 $0x7, v3  }
0xa5: {  	v3 =	vor.u32 v3, v4  }
0xa6: {  	v4 =	vperm.xlane v3, v0;
	_ =	sdelay $0x1  }
0xa7: {  	v4 =	vadd.s32 v1, v4;
	_ =	sdelay $0x3  }
0xa8: {  	s9 =	simm.s32 $0x15080;
	v3 =	vperm.xlane v3, v2  }
0xa9: {  	[hbm4b:s3+s2] =	stream.indirect_vreg.scatter [tilespmem:s9], [sflag:$0x1], $0x80, v4, vm0, $0xb8;
	[tilespmem:$0x18080] =	vst v63  }
0xaa: {  	v3 =	vadd.s32 v1, v3;
	s9 =	simm.s32 $0x15880  }
0xab: {  	[hbm4b:s4+s2] =	stream.indirect_vreg.scatter [tilespmem:s9], [sflag:$0x1], $0x80, v4, vm0, $0xb8;
	[tilespmem:$0x18080] =	vst v63  }
0xac: {  	s9 =	simm.s32 $0x16080  }
0xad: {  	[hbm4b:s5+s2] =	stream.indirect_vreg.scatter [tilespmem:s9], [sflag:$0x1], $0x80, v4, vm0, $0xb8;
	[tilespmem:$0x18080] =	vst v63  }
0xae: {  	s9 =	simm.s32 $0x16880  }
0xaf: {  	[hbm4b:s3+s2] =	stream.indirect_vreg.scatter [tilespmem:s9], [sflag:$0x1], $0x80, v3, vm0, $0xb8;
	[tilespmem:$0x18080] =	vst v63  }
0xb0: {  	s9 =	simm.s32 $0x17080  }
0xb1: {  	[hbm4b:s4+s2] =	stream.indirect_vreg.scatter [tilespmem:s9], [sflag:$0x1], $0x80, v3, vm0, $0xb8;
	[tilespmem:$0x18080] =	vst v63  }
0xb2: {  	s9 =	simm.s32 $0x17880  }
0xb3: {  	[hbm4b:s5+s2] =	stream.indirect_vreg.scatter [tilespmem:s9], [sflag:$0x1], $0x80, v3, vm0, $0xb8;
	[tilespmem:$0x18080] =	vst v63  }
0xb4: {  	_ =	swait.ge [sflag:s1], $0x18000  }
0xb5: {  	[sflag:s1] =	ssyncset.done $0x0  }
0xb6: {  	s9 =	rddreg [dreg:$0x5];
	[sflag:s1] =	ssyncadd.s32 $0xFFFE8000  }
0xb7: {  	[tilespmem:s0], [sflag:$0x2] =	stream.linear.gather [hbm4b:s9+s2], $0x18000, $0x38;
	[tilespmem:$0x18080] =	vst v63  }
0xb8: {  	_ =	swait.ge [sflag:s8], $0x18000  }
0xb9: {  	[sflag:s8] =	ssyncset.done $0x0  }
0xba: {  	s9 =	rddreg [dreg:$0x6];
	[sflag:s8] =	ssyncadd.s32 $0xFFFE8000  }
0xbb: {  	[tilespmem:s2], [sflag:$0x2] =	stream.linear.gather [hbm4b:s9+s2], $0x80, $0x38;
	[tilespmem:$0x18080] =	vst v63  }
0xbc: {  	_ =	swait.ge [sflag:s8], $0x80  }
0xbd: {  	[sflag:s8] =	ssyncset.done $0x0  }
0xbe: {  	[sflag:s8] =	ssyncadd.s32 $0xFFFFFF80  }
0xbf: {  	v3 =	vld [tilespmem:$0x0];
	_ =	sdelay $0x4  }
0xc0: {  	v56 =	vshrl.u32 v3, $0x3  }
0xc1: {  	v4 =	vmul.u32 $0x30, v56  }
0xc2: {  	v3 =	vand.u32 $0x7, v3  }
0xc3: {  	v3 =	vor.u32 v3, v4  }
0xc4: {  	v4 =	vperm.xlane v3, v0;
	_ =	sdelay $0x1  }
0xc5: {  	v4 =	vadd.s32 v1, v4;
	_ =	sdelay $0x3  }
0xc6: {  	v3 =	vperm.xlane v3, v2  }
0xc7: {  	[hbm4b:s3+s2] =	stream.indirect_vreg.scatter [tilespmem:s0], [sflag:$0x1], $0x80, v4, vm0, $0xb8;
	[tilespmem:$0x18080] =	vst v63  }
0xc8: {  	v3 =	vadd.s32 v1, v3  }
0xc9: {  	[hbm4b:s4+s2] =	stream.indirect_vreg.scatter [tilespmem:s10], [sflag:$0x1], $0x80, v4, vm0, $0xb8;
	[tilespmem:$0x18080] =	vst v63  }
0xca: {  	_ = 	snop  }
0xcb: {  	[hbm4b:s5+s2] =	stream.indirect_vreg.scatter [tilespmem:s11], [sflag:$0x1], $0x80, v4, vm0, $0xb8;
	[tilespmem:$0x18080] =	vst v63  }
0xcc: {  	_ = 	snop  }
0xcd: {  	[hbm4b:s3+s2] =	stream.indirect_vreg.scatter [tilespmem:s12], [sflag:$0x1], $0x80, v3, vm0, $0xb8;
	[tilespmem:$0x18080] =	vst v63  }
0xce: {  	_ = 	snop  }
0xcf: {  	[hbm4b:s4+s2] =	stream.indirect_vreg.scatter [tilespmem:s13], [sflag:$0x1], $0x80, v3, vm0, $0xb8;
	[tilespmem:$0x18080] =	vst v63  }
0xd0: {  	_ = 	snop  }
0xd1: {  	[hbm4b:s5+s2] =	stream.indirect_vreg.scatter [tilespmem:s14], [sflag:$0x1], $0x80, v3, vm0, $0xb8;
	[tilespmem:$0x18080] =	vst v63  }
0xd2: {  	v3 =	vld [tilespmem:$0x10];
	_ =	sdelay $0x4  }
0xd3: {  	v57 =	vshrl.u32 v3, $0x3  }
0xd4: {  	v4 =	vmul.u32 $0x30, v57  }
0xd5: {  	v3 =	vand.u32 $0x7, v3  }
0xd6: {  	v3 =	vor.u32 v3, v4  }
0xd7: {  	v4 =	vperm.xlane v3, v0;
	_ =	sdelay $0x1  }
0xd8: {  	v4 =	vadd.s32 v1, v4;
	_ =	sdelay $0x3  }
0xd9: {  	v3 =	vperm.xlane v3, v2  }
0xda: {  	[hbm4b:s3+s2] =	stream.indirect_vreg.scatter [tilespmem:s15], [sflag:$0x1], $0x80, v4, vm0, $0xb8;
	[tilespmem:$0x18080] =	vst v63  }
0xdb: {  	v3 =	vadd.s32 v1, v3  }
0xdc: {  	[hbm4b:s4+s2] =	stream.indirect_vreg.scatter [tilespmem:s16], [sflag:$0x1], $0x80, v4, vm0, $0xb8;
	[tilespmem:$0x18080] =	vst v63  }
0xdd: {  	_ = 	snop  }
0xde: {  	[hbm4b:s5+s2] =	stream.indirect_vreg.scatter [tilespmem:s17], [sflag:$0x1], $0x80, v4, vm0, $0xb8;
	[tilespmem:$0x18080] =	vst v63  }
0xdf: {  	_ = 	snop  }
0xe0: {  	[hbm4b:s3+s2] =	stream.indirect_vreg.scatter [tilespmem:s18], [sflag:$0x1], $0x80, v3, vm0, $0xb8;
	[tilespmem:$0x18080] =	vst v63  }
0xe1: {  	_ = 	snop  }
0xe2: {  	[hbm4b:s4+s2] =	stream.indirect_vreg.scatter [tilespmem:s19], [sflag:$0x1], $0x80, v3, vm0, $0xb8;
	[tilespmem:$0x18080] =	vst v63  }
0xe3: {  	_ = 	snop  }
0xe4: {  	[hbm4b:s5+s2] =	stream.indirect_vreg.scatter [tilespmem:s20], [sflag:$0x1], $0x80, v3, vm0, $0xb8;
	[tilespmem:$0x18080] =	vst v63  }
0xe5: {  	v3 =	vld [tilespmem:$0x20];
	_ =	sdelay $0x4  }
0xe6: {  	v58 =	vshrl.u32 v3, $0x3  }
0xe7: {  	v4 =	vmul.u32 $0x30, v58  }
0xe8: {  	v3 =	vand.u32 $0x7, v3  }
0xe9: {  	v3 =	vor.u32 v3, v4  }
0xea: {  	v4 =	vperm.xlane v3, v0;
	_ =	sdelay $0x1  }
0xeb: {  	v4 =	vadd.s32 v1, v4;
	_ =	sdelay $0x3  }
0xec: {  	v3 =	vperm.xlane v3, v2  }
0xed: {  	[hbm4b:s3+s2] =	stream.indirect_vreg.scatter [tilespmem:s21], [sflag:$0x1], $0x80, v4, vm0, $0xb8;
	[tilespmem:$0x18080] =	vst v63  }
0xee: {  	v3 =	vadd.s32 v1, v3  }
0xef: {  	[hbm4b:s4+s2] =	stream.indirect_vreg.scatter [tilespmem:s22], [sflag:$0x1], $0x80, v4, vm0, $0xb8;
	[tilespmem:$0x18080] =	vst v63  }
0xf0: {  	_ = 	snop  }
0xf1: {  	[hbm4b:s5+s2] =	stream.indirect_vreg.scatter [tilespmem:s23], [sflag:$0x1], $0x80, v4, vm0, $0xb8;
	[tilespmem:$0x18080] =	vst v63  }
0xf2: {  	_ = 	snop  }
0xf3: {  	[hbm4b:s3+s2] =	stream.indirect_vreg.scatter [tilespmem:s24], [sflag:$0x1], $0x80, v3, vm0, $0xb8;
	[tilespmem:$0x18080] =	vst v63  }
0xf4: {  	_ = 	snop  }
0xf5: {  	[hbm4b:s4+s2] =	stream.indirect_vreg.scatter [tilespmem:s25], [sflag:$0x1], $0x80, v3, vm0, $0xb8;
	[tilespmem:$0x18080] =	vst v63  }
0xf6: {  	_ = 	snop  }
0xf7: {  	[hbm4b:s5+s2] =	stream.indirect_vreg.scatter [tilespmem:s26], [sflag:$0x1], $0x80, v3, vm0, $0xb8;
	[tilespmem:$0x18080] =	vst v63  }
0xf8: {  	v3 =	vld [tilespmem:$0x30];
	_ =	sdelay $0x4  }
0xf9: {  	v59 =	vshrl.u32 v3, $0x3  }
0xfa: {  	v4 =	vmul.u32 $0x30, v59  }
0xfb: {  	v3 =	vand.u32 $0x7, v3  }
0xfc: {  	v3 =	vor.u32 v3, v4  }
0xfd: {  	v4 =	vperm.xlane v3, v0;
	_ =	sdelay $0x1  }
0xfe: {  	v4 =	vadd.s32 v1, v4;
	_ =	sdelay $0x3  }
0xff: {  	v3 =	vperm.xlane v3, v2  }
0x100: {  	[hbm4b:s3+s2] =	stream.indirect_vreg.scatter [tilespmem:s28], [sflag:$0x1], $0x80, v4, vm0, $0xb8;
	[tilespmem:$0x18080] =	vst v63  }
0x101: {  	v3 =	vadd.s32 v1, v3  }
0x102: {  	[hbm4b:s4+s2] =	stream.indirect_vreg.scatter [tilespmem:s29], [sflag:$0x1], $0x80, v4, vm0, $0xb8;
	[tilespmem:$0x18080] =	vst v63  }
0x103: {  	_ = 	snop  }
0x104: {  	[hbm4b:s5+s2] =	stream.indirect_vreg.scatter [tilespmem:s30], [sflag:$0x1], $0x80, v4, vm0, $0xb8;
	[tilespmem:$0x18080] =	vst v63  }
0x105: {  	_ = 	snop  }
0x106: {  	[hbm4b:s3+s2] =	stream.indirect_vreg.scatter [tilespmem:s31], [sflag:$0x1], $0x80, v3, vm0, $0xb8;
	[tilespmem:$0x18080] =	vst v63  }
0x107: {  	s9 =	simm.s32 $0xB080  }
0x108: {  	[hbm4b:s4+s2] =	stream.indirect_vreg.scatter [tilespmem:s9], [sflag:$0x1], $0x80, v3, vm0, $0xb8;
	[tilespmem:$0x18080] =	vst v63  }
0x109: {  	_ = 	snop  }
0x10a: {  	[hbm4b:s5+s2] =	stream.indirect_vreg.scatter [tilespmem:s7], [sflag:$0x1], $0x80, v3, vm0, $0xb8;
	[tilespmem:$0x18080] =	vst v63  }
0x10b: {  	v3 =	vld [tilespmem:$0x40];
	_ =	sdelay $0x4  }
0x10c: {  	v60 =	vshrl.u32 v3, $0x3  }
0x10d: {  	v4 =	vmul.u32 $0x30, v60  }
0x10e: {  	v3 =	vand.u32 $0x7, v3  }
0x10f: {  	v3 =	vor.u32 v3, v4  }
0x110: {  	v4 =	vperm.xlane v3, v0;
	_ =	sdelay $0x1  }
0x111: {  	v4 =	vadd.s32 v1, v4;
	_ =	sdelay $0x3  }
0x112: {  	s7 =	simm.s32 $0xC080;
	v3 =	vperm.xlane v3, v2  }
0x113: {  	[hbm4b:s3+s2] =	stream.indirect_vreg.scatter [tilespmem:s7], [sflag:$0x1], $0x80, v4, vm0, $0xb8;
	[tilespmem:$0x18080] =	vst v63  }
0x114: {  	s9 =	simm.s32 $0xC880;
	v3 =	vadd.s32 v1, v3  }
0x115: {  	[hbm4b:s4+s2] =	stream.indirect_vreg.scatter [tilespmem:s9], [sflag:$0x1], $0x80, v4, vm0, $0xb8;
	[tilespmem:$0x18080] =	vst v63  }
0x116: {  	s7 =	simm.s32 $0xD080  }
0x117: {  	[hbm4b:s5+s2] =	stream.indirect_vreg.scatter [tilespmem:s7], [sflag:$0x1], $0x80, v4, vm0, $0xb8;
	[tilespmem:$0x18080] =	vst v63  }
0x118: {  	s9 =	simm.s32 $0xD880  }
0x119: {  	[hbm4b:s3+s2] =	stream.indirect_vreg.scatter [tilespmem:s9], [sflag:$0x1], $0x80, v3, vm0, $0xb8;
	[tilespmem:$0x18080] =	vst v63  }
0x11a: {  	s7 =	simm.s32 $0xE080  }
0x11b: {  	[hbm4b:s4+s2] =	stream.indirect_vreg.scatter [tilespmem:s7], [sflag:$0x1], $0x80, v3, vm0, $0xb8;
	[tilespmem:$0x18080] =	vst v63  }
0x11c: {  	s9 =	simm.s32 $0xE880  }
0x11d: {  	[hbm4b:s5+s2] =	stream.indirect_vreg.scatter [tilespmem:s9], [sflag:$0x1], $0x80, v3, vm0, $0xb8;
	[tilespmem:$0x18080] =	vst v63  }
0x11e: {  	v3 =	vld [tilespmem:$0x50];
	_ =	sdelay $0x4  }
0x11f: {  	v61 =	vshrl.u32 v3, $0x3  }
0x120: {  	v4 =	vmul.u32 $0x30, v61  }
0x121: {  	v3 =	vand.u32 $0x7, v3  }
0x122: {  	v3 =	vor.u32 v3, v4  }
0x123: {  	v4 =	vperm.xlane v3, v0;
	_ =	sdelay $0x1  }
0x124: {  	v4 =	vadd.s32 v1, v4;
	_ =	sdelay $0x3  }
0x125: {  	s7 =	simm.s32 $0xF080;
	v3 =	vperm.xlane v3, v2  }
0x126: {  	[hbm4b:s3+s2] =	stream.indirect_vreg.scatter [tilespmem:s7], [sflag:$0x1], $0x80, v4, vm0, $0xb8;
	[tilespmem:$0x18080] =	vst v63  }
0x127: {  	s9 =	simm.s32 $0xF880;
	v3 =	vadd.s32 v1, v3  }
0x128: {  	[hbm4b:s4+s2] =	stream.indirect_vreg.scatter [tilespmem:s9], [sflag:$0x1], $0x80, v4, vm0, $0xb8;
	[tilespmem:$0x18080] =	vst v63  }
0x129: {  	s7 =	simm.s32 $0x10080  }
0x12a: {  	[hbm4b:s5+s2] =	stream.indirect_vreg.scatter [tilespmem:s7], [sflag:$0x1], $0x80, v4, vm0, $0xb8;
	[tilespmem:$0x18080] =	vst v63  }
0x12b: {  	s9 =	simm.s32 $0x10880  }
0x12c: {  	[hbm4b:s3+s2] =	stream.indirect_vreg.scatter [tilespmem:s9], [sflag:$0x1], $0x80, v3, vm0, $0xb8;
	[tilespmem:$0x18080] =	vst v63  }
0x12d: {  	s7 =	simm.s32 $0x11080  }
0x12e: {  	[hbm4b:s4+s2] =	stream.indirect_vreg.scatter [tilespmem:s7], [sflag:$0x1], $0x80, v3, vm0, $0xb8;
	[tilespmem:$0x18080] =	vst v63  }
0x12f: {  	s9 =	simm.s32 $0x11880  }
0x130: {  	[hbm4b:s5+s2] =	stream.indirect_vreg.scatter [tilespmem:s9], [sflag:$0x1], $0x80, v3, vm0, $0xb8;
	[tilespmem:$0x18080] =	vst v63  }
0x131: {  	v3 =	vld [tilespmem:$0x60];
	_ =	sdelay $0x4  }
0x132: {  	v62 =	vshrl.u32 v3, $0x3  }
0x133: {  	v4 =	vmul.u32 $0x30, v62  }
0x134: {  	v3 =	vand.u32 $0x7, v3  }
0x135: {  	v3 =	vor.u32 v3, v4  }
0x136: {  	v4 =	vperm.xlane v3, v0;
	_ =	sdelay $0x1  }
0x137: {  	v4 =	vadd.s32 v1, v4;
	_ =	sdelay $0x3  }
0x138: {  	s7 =	simm.s32 $0x12080;
	v3 =	vperm.xlane v3, v2  }
0x139: {  	[hbm4b:s3+s2] =	stream.indirect_vreg.scatter [tilespmem:s7], [sflag:$0x1], $0x80, v4, vm0, $0xb8;
	[tilespmem:$0x18080] =	vst v63  }
0x13a: {  	s9 =	simm.s32 $0x12880;
	v3 =	vadd.s32 v1, v3  }
0x13b: {  	[hbm4b:s4+s2] =	stream.indirect_vreg.scatter [tilespmem:s9], [sflag:$0x1], $0x80, v4, vm0, $0xb8;
	[tilespmem:$0x18080] =	vst v63  }
0x13c: {  	s7 =	simm.s32 $0x13080  }
0x13d: {  	[hbm4b:s5+s2] =	stream.indirect_vreg.scatter [tilespmem:s7], [sflag:$0x1], $0x80, v4, vm0, $0xb8;
	[tilespmem:$0x18080] =	vst v63  }
0x13e: {  	s9 =	simm.s32 $0x13880  }
0x13f: {  	[hbm4b:s3+s2] =	stream.indirect_vreg.scatter [tilespmem:s9], [sflag:$0x1], $0x80, v3, vm0, $0xb8;
	[tilespmem:$0x18080] =	vst v63  }
0x140: {  	s7 =	simm.s32 $0x14080  }
0x141: {  	[hbm4b:s4+s2] =	stream.indirect_vreg.scatter [tilespmem:s7], [sflag:$0x1], $0x80, v3, vm0, $0xb8;
	[tilespmem:$0x18080] =	vst v63  }
0x142: {  	s9 =	simm.s32 $0x14880  }
0x143: {  	[hbm4b:s5+s2] =	stream.indirect_vreg.scatter [tilespmem:s9], [sflag:$0x1], $0x80, v3, vm0, $0xb8;
	[tilespmem:$0x18080] =	vst v63  }
0x144: {  	v3 =	vld [tilespmem:$0x70];
	_ =	sdelay $0x4  }
0x145: {  	v63 =	vshrl.u32 v3, $0x3  }
0x146: {  	v4 =	vmul.u32 $0x30, v63  }
0x147: {  	v3 =	vand.u32 $0x7, v3  }
0x148: {  	v3 =	vor.u32 v3, v4  }
0x149: {  	v4 =	vperm.xlane v3, v0;
	_ =	sdelay $0x1  }
0x14a: {  	v4 =	vadd.s32 v1, v4;
	_ =	sdelay $0x3  }
0x14b: {  	s7 =	simm.s32 $0x15080;
	v3 =	vperm.xlane v3, v2  }
0x14c: {  	[hbm4b:s3+s2] =	stream.indirect_vreg.scatter [tilespmem:s7], [sflag:$0x1], $0x80, v4, vm0, $0xb8;
	[tilespmem:$0x18080] =	vst v63  }
0x14d: {  	s9 =	simm.s32 $0x15880;
	v3 =	vadd.s32 v1, v3  }
0x14e: {  	[hbm4b:s4+s2] =	stream.indirect_vreg.scatter [tilespmem:s9], [sflag:$0x1], $0x80, v4, vm0, $0xb8;
	[tilespmem:$0x18080] =	vst v63  }
0x14f: {  	s7 =	simm.s32 $0x16080  }
0x150: {  	[hbm4b:s5+s2] =	stream.indirect_vreg.scatter [tilespmem:s7], [sflag:$0x1], $0x80, v4, vm0, $0xb8;
	[tilespmem:$0x18080] =	vst v63  }
0x151: {  	s9 =	simm.s32 $0x16880  }
0x152: {  	[hbm4b:s3+s2] =	stream.indirect_vreg.scatter [tilespmem:s9], [sflag:$0x1], $0x80, v3, vm0, $0xb8;
	[tilespmem:$0x18080] =	vst v63  }
0x153: {  	p0 =	sne.s32 s6, $0x1;
	s7 =	simm.s32 $0x17080  }
0x154: {  	[hbm4b:s4+s2] =	stream.indirect_vreg.scatter [tilespmem:s7], [sflag:$0x1], $0x80, v3, vm0, $0xb8;
	[tilespmem:$0x18080] =	vst v63  }
.Ltmp0:
0x155: {  	s9 =	simm.s32 $0x17880;
	(pc) =	sbr.rel @p0 .LBB2_1-.Ltmp0, $4  }
0x156: {  	[hbm4b:s5+s2] =	stream.indirect_vreg.scatter [tilespmem:s9], [sflag:$0x1], $0x80, v3, vm0, $0xb8;
	[tilespmem:$0x18080] =	vst v63  }
0x157: {  	_ =	swait.ge [sflag:s1], $0x18000  }
0x158: {  	[sflag:s1] =	ssyncset.done $0x0  }
0x159: {  	s6 =	sadd.s32 $0xFFFFFFFF, s6;
	[sflag:s1] =	ssyncadd.s32 $0xFFFE8000  }
0x15a: {  	_ =	sfence.sel $0x180000  }
0x15b: {  	[bflag:$0x0] =	sbarrier.arrive $0xFFFF  }
0x15c: {  	_ =	strace $0x90000047  }
0x15d: {  	s0 =	stileid.u32;
	[bflag:$0x2] =	sbarrier.arrive $0xFFFF  }
0x15e: {  	p0 =	sne.s32 s0, $0x0;
	s0 =	rddreg [dreg:$0x2]  }
0x15f: {  	s0 =	sadd.s32 @!p0 $0x100000, s0  }
0x160: {  	[sflag:s0] =	ssyncadd.tile.s32 @!p0 $0x1;
	_ =	shalt  }
.Lfunc_end2:
_tile_overlayer_lowered:
.L_overlay_start_2:
0x161: {  	(tag) =	ssettag $0x2  }
0x162: {  	s0 =	rddreg [dreg:$0x0];
	s2 =	stileid.u32  }
0x163: {  	s1 =	rddreg [dreg:$0x1];
	p0 =	sne.s32 s2, $0x0  }
0x164: {  	s3 =	rddreg [dreg:$0x2];
	[bflag:$0x3] =	sbarrier.arrive $0xFFFF;
	s2 =	simm.s32 @!p0 $0x1C02  }
0x165: {  	[timem:s3], [sflag:s2] =	dma.local @!p0 [hbm:s0], s1  }
0x166: {  	s0 =	simm.s32 @!p0 $0x2  }
0x167: {  	_ =	swait.ge @!p0 [sflag:s0], s1  }
0x168: {  	s1 =	ssub.s32 @!p0 $0x0, s1;
	[sflag:s0] =	ssyncset.done @!p0 $0x0  }
0x169: {  	[sflag:s0] =	ssyncadd.s32 @!p0 s1  }
0x16a: {  	[bflag:$0x3] =	sbarrier.arrive $0xFFFF  }
0x16b: {  	_ =	shalt  }

</sc_bundles>
